<compile_context>
chip_gen: v7x
topology: tpu7x:2x2x1
jax: 0.10.2.dev20260603
libtpu: 0.0.44.dev20260713+nightly
codegen_flags: <defaults>
</compile_context>

<pallas_src>
import jax
import jax.numpy as jnp
from jax.experimental import pallas as pl
from jax.experimental.pallas import tpu as pltpu
from jax.experimental.pallas import tpu_sc as plsc

N_ATOMS = 4096
N_CGS = 512
KNN = 32
B_BATCH = 4
LANES = 16

BN1 = 512
BN3 = 128
GWIN = 128


def _k1_softmax_stats(logits_ref, xyzc_ref, bcast_ref, colsum_ref, gtun_ref,
                      idx_ref, d3_ref):
    i = pl.program_id(0)
    x = logits_ref[...]
    m = jnp.max(x, axis=1, keepdims=True)
    e = jnp.exp(x - m)
    s = jnp.sum(e, axis=1, keepdims=True)
    soft = e / s
    bcast_ref[...] = jnp.broadcast_to(soft[None], (B_BATCH, BN1, N_CGS))

    col = jax.lax.broadcasted_iota(jnp.int32, (BN1, N_CGS), 1)
    hit = jnp.where(x == m, col, N_CGS)
    idx_ref[...] = jnp.min(hit, axis=1, keepdims=True)

    softT = jnp.transpose(soft)
    part_cs = jnp.sum(softT, axis=1, keepdims=True)
    part_gt = jnp.dot(softT, xyzc_ref[...],
                      preferred_element_type=jnp.float32)

    @pl.when(i == 0)
    def _():
        colsum_ref[...] = part_cs
        gtun_ref[...] = part_gt

    @pl.when(i != 0)
    def _():
        colsum_ref[...] += part_cs
        gtun_ref[...] += part_gt

    @pl.when(i == pl.num_programs(0) - 1)
    def _():
        r = 1.0 / (colsum_ref[...] + 1e-8)
        gt = gtun_ref[...] * r
        g1 = jax.lax.slice(gt, (1, 0), (KNN + 1, LANES))
        d3_ref[...] = g1[None, :, :] - gt[:, None, :]


def _k2_big_matmul(b_ref, d_ref, soft_ref, gtun_ref, colsum_ref,
                   dx_ref, vt_ref, tbl_ref):
    i = pl.program_id(0)
    dx = jnp.dot(b_ref[...], d_ref[...],
                 preferred_element_type=jnp.float32)
    dx_ref[...] = dx
    softT = jnp.transpose(soft_ref[0])
    part = jnp.dot(softT, dx, preferred_element_type=jnp.float32)

    @pl.when(i == 0)
    def _():
        vt_ref[...] = part

    @pl.when(i != 0)
    def _():
        vt_ref[...] += part

    @pl.when(i == pl.num_programs(0) - 1)
    def _():
        r = 1.0 / (colsum_ref[...] + 1e-8)
        val = (gtun_ref[...] - vt_ref[...]) * r
        tbl_ref[...] = jnp.concatenate(
            [val, jnp.zeros((N_CGS, 128 - LANES), jnp.float32)], axis=1)


def _sc_gather_combine(tbl, idx_row, dx_all):
    mesh = plsc.VectorSubcoreMesh(core_axis_name="c", subcore_axis_name="s")

    @pl.kernel(
        out_type=jax.ShapeDtypeStruct((N_ATOMS, LANES), jnp.float32),
        mesh=mesh,
        scratch_types=[pltpu.VMEM((GWIN, 128), jnp.float32)])
    def sc_kernel(tbl_hbm, idx_hbm, dx_hbm, out_hbm, t128_ref):
        def body(i_vmem, dx_vmem, o_vmem):
            pltpu.sync_copy(tbl_hbm.at[i_vmem.at[0]], t128_ref)

            @pl.loop(0, GWIN)
            def _(a):
                sl = (pl.ds(a, 1), pl.ds(0, LANES))
                o_vmem.at[sl][...] = t128_ref.at[sl][...] + dx_vmem.at[sl][...]

        pltpu.emit_pipeline(
            body,
            grid=(N_ATOMS // GWIN,),
            in_specs=[
                pl.BlockSpec((1, GWIN), lambda i: (0, i)),
                pl.BlockSpec((GWIN, LANES), lambda i: (i, 0)),
            ],
            out_specs=[pl.BlockSpec((GWIN, LANES), lambda i: (i, 0))],
            core_axis_name=("c", "s"),
            dimension_semantics=(pltpu.PARALLEL,),
        )(idx_hbm, dx_hbm, out_hbm)

    return sc_kernel(tbl, idx_row, dx_all)


def kernel(xyz, z, nbr_list, bonds, assign_logits, B_param):
    f32 = jnp.float32

    xyzc = jnp.pad(jnp.transpose(xyz, (1, 0, 2)),
                   ((0, 0), (0, 0), (0, 1))).reshape(N_ATOMS, LANES)

    grid1 = N_ATOMS // BN1
    soft_bcast, colsum, gt_un, idx_col, d3 = pl.pallas_call(
        _k1_softmax_stats,
        grid=(grid1,),
        in_specs=[
            pl.BlockSpec((BN1, N_CGS), lambda i: (i, 0)),
            pl.BlockSpec((BN1, LANES), lambda i: (i, 0)),
        ],
        out_specs=[
            pl.BlockSpec((B_BATCH, BN1, N_CGS), lambda i: (0, i, 0)),
            pl.BlockSpec((N_CGS, 1), lambda i: (0, 0)),
            pl.BlockSpec((N_CGS, LANES), lambda i: (0, 0)),
            pl.BlockSpec((BN1, 1), lambda i: (i, 0)),
            pl.BlockSpec((N_CGS, KNN, LANES), lambda i: (0, 0, 0)),
        ],
        out_shape=[
            jax.ShapeDtypeStruct((B_BATCH, N_ATOMS, N_CGS), f32),
            jax.ShapeDtypeStruct((N_CGS, 1), f32),
            jax.ShapeDtypeStruct((N_CGS, LANES), f32),
            jax.ShapeDtypeStruct((N_ATOMS, 1), jnp.int32),
            jax.ShapeDtypeStruct((N_CGS, KNN, LANES), f32),
        ],
    )(assign_logits, xyzc)

    d_flat = d3.reshape(N_CGS * KNN, LANES)

    grid3 = N_ATOMS // BN3
    dx_all, vt, tbl = pl.pallas_call(
        _k2_big_matmul,
        grid=(grid3,),
        in_specs=[
            pl.BlockSpec((BN3, N_CGS * KNN), lambda i: (i, 0)),
            pl.BlockSpec((N_CGS * KNN, LANES), lambda i: (0, 0)),
            pl.BlockSpec((1, BN3, N_CGS), lambda i: (0, i, 0)),
            pl.BlockSpec((N_CGS, LANES), lambda i: (0, 0)),
            pl.BlockSpec((N_CGS, 1), lambda i: (0, 0)),
        ],
        out_specs=[
            pl.BlockSpec((BN3, LANES), lambda i: (i, 0)),
            pl.BlockSpec((N_CGS, LANES), lambda i: (0, 0)),
            pl.BlockSpec((N_CGS, 128), lambda i: (0, 0)),
        ],
        out_shape=[
            jax.ShapeDtypeStruct((N_ATOMS, LANES), f32),
            jax.ShapeDtypeStruct((N_CGS, LANES), f32),
            jax.ShapeDtypeStruct((N_CGS, 128), f32),
        ],
    )(B_param, d_flat, soft_bcast, gt_un, colsum)

    idx_row = idx_col.reshape(1, N_ATOMS)
    recon16 = _sc_gather_combine(tbl, idx_row, dx_all)

    xyz_recon = jnp.transpose(
        recon16.reshape(N_ATOMS, B_BATCH, 4), (1, 0, 2))[:, :, :3]
    return (soft_bcast, xyz, xyz_recon)

# --- scband reference (transcript-rebuilt; emitter-appended) ---
"""Pipeline reference for scband-equi-linear-6708738916908 (READ-ONLY COPY).

The authoritative reference and input builder live on the scoring server;
editing this copy changes nothing except your own understanding.
"""

import jax, jax.numpy as jnp
import numpy as np

B_BATCH = 4
N_ATOMS = 4096
N_CGS = 512
KNN = 32


def setup_inputs(seed: int = 0):
    key = jax.random.key(seed)
    ks = jax.random.split(key, 6)
    xyz = 5.0 * jax.random.normal(ks[0], (B_BATCH, N_ATOMS, 3), dtype=jnp.float32)
    z = jax.random.randint(ks[1], (B_BATCH, N_ATOMS), 0, 100)
    nbr_list = jax.random.randint(ks[2], (N_ATOMS * 8, 2), 0, N_ATOMS)
    bonds = jax.random.randint(ks[3], (N_ATOMS, 2), 0, N_ATOMS)
    assign_logits = jax.random.normal(ks[4], (N_ATOMS, N_CGS), dtype=jnp.float32)
    B_param = 0.01 * jax.random.normal(ks[5], (N_ATOMS, N_CGS * KNN), dtype=jnp.float32)
    return {"xyz": xyz, "z": z, "nbr_list": nbr_list, "bonds": bonds,
            "assign_logits": assign_logits, "B_param": B_param}


def _pooler(assign_logits, xyz):
    # Faithful stand-in for the external CG pooler: soft assignment of atoms to
    # CG beads (tau=0, gumbel hard assignment approximated by softmax weights),
    # normalized per bead, CG coordinates as assignment-weighted centroids.
    Bb = xyz.shape[0]
    soft_assign = jax.nn.softmax(assign_logits, axis=-1)           # [n_atoms, n_cgs]
    soft_assign = jnp.broadcast_to(soft_assign[None], (Bb,) + soft_assign.shape)  # [B, n_atoms, n_cgs]
    assign_norm = soft_assign / (jnp.sum(soft_assign, axis=1, keepdims=True) + 1e-8)
    cg_xyz = jnp.einsum('bij,bin->bjn', assign_norm, xyz)          # [B, n_cgs, 3]
    assign_idx = jnp.argmax(assign_logits, axis=-1)                # [n_atoms]
    return soft_assign, assign_norm, cg_xyz, assign_idx


def reference(xyz, z, nbr_list, bonds, assign_logits, B_param):
    Bb = xyz.shape[0]
    soft_assign, assign_norm, cg_xyz, assign_idx = _pooler(assign_logits, xyz)

    # pairwise CG-CG distances; index extraction is non-differentiable in the
    # original torch code (value.cpu().nonzero()), so stop_gradient is faithful
    diff = cg_xyz[:, :, None, :] - cg_xyz[:, None, :, :]
    dist = jax.lax.stop_gradient(jnp.sqrt(jnp.sum(diff * diff, axis=-1)))  # [B, n_cgs, n_cgs]
    value = jnp.sort(dist, axis=-1)                                # ascending, col 0 is self (=0)
    value = value.at[:, :, KNN + 1:].set(0.0)
    # exactly B*n_cgs*KNN nonzeros (cols 1..KNN of each row), row-major order
    nz = jnp.nonzero(value, size=Bb * N_CGS * KNN, fill_value=0)
    cg_nbr_list = jnp.stack(nz, axis=-1)                           # [B*n_cgs*KNN, 3]

    pad_cg_xyz = cg_xyz.reshape(-1, 3)
    pad_cg_nbr_list = cg_nbr_list[:, 1:] + (cg_nbr_list[:, 0] * N_CGS)[:, None]
    dist_vec = pad_cg_xyz[pad_cg_nbr_list[:, 1]] - pad_cg_xyz[pad_cg_nbr_list[:, 0]]
    dist_vec = dist_vec.reshape(Bb, N_CGS * KNN, 3)

    dx_recon = jnp.einsum('ije,nj->ine', dist_vec, B_param)        # [B, n_atoms, 3]
    cg_offset = jnp.einsum('bin,bij->bjn', dx_recon, assign_norm)  # [B, n_cgs, 3]
    cg_offset_lift = cg_offset[:, assign_idx, :]                   # [B, n_atoms, 3]
    xyz_recon = cg_xyz[:, assign_idx, :] - cg_offset_lift + dx_recon
    return (soft_assign, xyz, xyz_recon)

if __name__ == "__main__":
    import jax
    _d = setup_inputs()
    print(jax.jit(kernel)(*tuple(_d.values())))

</pallas_src>

<mosaic_0001>
#map = affine_map<(d0, d1) -> (0, 0)>
module attributes {stable_mosaic.version = 14 : i64} {
  func.func @sc_kernel(%arg0: i32, %arg1: i32, %arg2: memref<512x128xf32, #tpu.memory_space<hbm>>, %arg3: memref<1x4096xi32, #tpu.memory_space<hbm>>, %arg4: memref<4096x16xf32, #tpu.memory_space<hbm>>, %arg5: memref<4096x16xf32, #tpu.memory_space<hbm>>, %arg6: memref<128x128xf32, #tpu.memory_space<vmem>>) attributes {dimension_semantics = [#tpu.dimension_semantics<core_parallel>, #tpu.dimension_semantics<subcore_parallel>], iteration_bounds = array<i64: 2, 16>, scalar_prefetch = 0 : i64, scratch_operands = 1 : i64, tpu.core_type = #tpu.core_type<sc_vector_subcore>, window_params = [{transform_indices = #map}, {transform_indices = #map}, {transform_indices = #map}, {transform_indices = #map}]} {
    %mul3A = arith.constant 1 : i32
    %mul3A_0 = arith.muli %arg1, %mul3A : i32
    %add3A = arith.constant 0 : i32
    %add3A_1 = arith.addi %add3A, %mul3A_0 : i32
    %mul3A_2 = arith.constant 16 : i32
    %mul3A_3 = arith.muli %arg0, %mul3A_2 : i32
    %add3A_4 = arith.addi %add3A_1, %mul3A_3 : i32
    %mul3A_5 = arith.constant 1 : i32
    %mul3A_6 = arith.muli %add3A_4, %mul3A_5 : i32
    "tpu.region"() ({
      %run_scoped3A = memref.alloca() : memref<2x1x128xi32, #tpu.memory_space<vmem>>
      %run_scoped3A_7 = tpu.sem_alloc : memref<2x!tpu.dma_semaphore, #tpu.memory_space<semaphore_mem>>
      %run_scoped3A_8 = memref.alloca() : memref<2x128x16xf32, #tpu.memory_space<vmem>>
      %run_scoped3A_9 = tpu.sem_alloc : memref<2x!tpu.dma_semaphore, #tpu.memory_space<semaphore_mem>>
      %run_scoped3A_10 = memref.alloca() : memref<2x128x16xf32, #tpu.memory_space<vmem>>
      %run_scoped3A_11 = tpu.sem_alloc : memref<2x!tpu.dma_semaphore, #tpu.memory_space<semaphore_mem>>
      %add3A_12 = arith.constant 0 : i32
      %add3A_13 = arith.addi %add3A_12, %mul3A_6 : i32
      %select_n3A = arith.constant true
      %select_n3A_14 = arith.constant 0 : i32
      %select_n3A_15 = arith.constant -1 : i32
      %select_n3A_16 = arith.select %select_n3A, %select_n3A_15, %select_n3A_14 : i32
      %eq3A = arith.constant -1 : i32
      %eq3A_17 = arith.cmpi eq, %select_n3A_16, %eq3A : i32
      %select_n3A_18 = arith.constant 0 : i32
      %select_n3A_19 = arith.select %eq3A_17, %select_n3A_18, %select_n3A_16 : i32
      %add3A_20 = arith.constant 0 : i32
      %add3A_21 = arith.addi %add3A_20, %mul3A_6 : i32
      %select_n3A_22 = arith.constant true
      %select_n3A_23 = arith.constant 0 : i32
      %select_n3A_24 = arith.constant 1 : i32
      %select_n3A_25 = arith.select %select_n3A_22, %select_n3A_24, %select_n3A_23 : i32
      %eq3A_26 = arith.constant 1 : i32
      %eq3A_27 = arith.cmpi eq, %select_n3A_25, %eq3A_26 : i32
      %select_n3A_28 = arith.constant 0 : i32
      %select_n3A_29 = arith.select %eq3A_27, %select_n3A_28, %select_n3A_25 : i32
      %add3A_30 = arith.constant 0 : i32
      %add3A_31 = arith.addi %add3A_30, %mul3A_6 : i32
      %select_n3A_32 = arith.constant true
      %select_n3A_33 = arith.constant 0 : i32
      %select_n3A_34 = arith.constant 1 : i32
      %select_n3A_35 = arith.select %select_n3A_32, %select_n3A_34, %select_n3A_33 : i32
      %eq3A_36 = arith.constant 1 : i32
      %eq3A_37 = arith.cmpi eq, %select_n3A_35, %eq3A_36 : i32
      %select_n3A_38 = arith.constant 0 : i32
      %select_n3A_39 = arith.select %eq3A_37, %select_n3A_38, %select_n3A_35 : i32
      %add3A_40 = arith.constant 0 : i32
      %add3A_41 = arith.addi %add3A_40, %mul3A_6 : i32
      "tpu.trace_start"() <{level = 10 : i32, message = "ep_initialize_0"}> : () -> ()
      %rem3A = arith.constant 0 : i32
      %rem3A_42 = arith.constant 2 : i32
      %rem3A_43 = arith.remui %rem3A, %rem3A_42 : i32
      %mul3A_44 = arith.constant 128 : i32
      %mul3A_45 = arith.muli %mul3A_44, %add3A_13 : i32
      %dma_start3A = arith.constant 0 : i32
      %dma_start3A_46 = arith.constant 0 : i32
      %dma_start3A_47 = tpu.memref_slice %run_scoped3A[%rem3A_43, %dma_start3A, %dma_start3A_46] : memref<2x1x128xi32, #tpu.memory_space<vmem>> -> memref<1x1x128xi32, #tpu.memory_space<vmem>>
      %dma_start3A_48 = tpu.memref_squeeze %dma_start3A_47 : memref<1x1x128xi32, #tpu.memory_space<vmem>> -> memref<1x128xi32, #tpu.memory_space<vmem>>
      %dma_start3A_49 = arith.constant 0 : i32
      %dma_start3A_50 = tpu.memref_slice %arg3[%dma_start3A_49, %mul3A_45] : memref<1x4096xi32, #tpu.memory_space<hbm>> -> memref<1x128xi32, #tpu.memory_space<hbm>>
      %dma_start3A_51 = tpu.memref_slice %run_scoped3A_7[%rem3A_43] : memref<2x!tpu.dma_semaphore, #tpu.memory_space<semaphore_mem>> -> memref<1x!tpu.dma_semaphore, #tpu.memory_space<semaphore_mem>>
      %dma_start3A_52 = tpu.memref_squeeze %dma_start3A_51 : memref<1x!tpu.dma_semaphore, #tpu.memory_space<semaphore_mem>> -> memref<!tpu.dma_semaphore, #tpu.memory_space<semaphore_mem>>
      %dma_start3A_53 = arith.constant 0 : i32
      %dma_start3A_54 = arith.constant 0 : i32
      %dma_start3A_55 = tpu.memref_slice %run_scoped3A[%rem3A_43, %dma_start3A_53, %dma_start3A_54] : memref<2x1x128xi32, #tpu.memory_space<vmem>> -> memref<1x1x128xi32, #tpu.memory_space<vmem>>
      %dma_start3A_56 = tpu.memref_squeeze %dma_start3A_55 : memref<1x1x128xi32, #tpu.memory_space<vmem>> -> memref<1x128xi32, #tpu.memory_space<vmem>>
      %dma_start3A_57 = arith.constant 0 : i32
      %dma_start3A_58 = tpu.memref_slice %arg3[%dma_start3A_57, %mul3A_45] : memref<1x4096xi32, #tpu.memory_space<hbm>> -> memref<1x128xi32, #tpu.memory_space<hbm>>
      tpu.enqueue_dma source(%dma_start3A_58 : memref<1x128xi32, #tpu.memory_space<hbm>>) target(%dma_start3A_56 : memref<1x128xi32, #tpu.memory_space<vmem>>) target_semaphore(%dma_start3A_52 : memref<!tpu.dma_semaphore, #tpu.memory_space<semaphore_mem>>)
      %add3A_59 = arith.constant 0 : i32
      %add3A_60 = arith.constant 1 : i32
      %add3A_61 = arith.addi %add3A_59, %add3A_60 : i32
      %select_n3A_62 = arith.constant true
      %select_n3A_63 = arith.constant 0 : i32
      %select_n3A_64 = arith.select %select_n3A_62, %add3A_61, %select_n3A_63 : i32
      %rem3A_65 = arith.constant 0 : i32
      %rem3A_66 = arith.constant 2 : i32
      %rem3A_67 = arith.remui %rem3A_65, %rem3A_66 : i32
      %mul3A_68 = arith.constant 128 : i32
      %mul3A_69 = arith.muli %mul3A_68, %add3A_13 : i32
      %dma_start3A_70 = arith.constant 0 : i32
      %dma_start3A_71 = arith.constant 0 : i32
      %dma_start3A_72 = tpu.memref_slice %run_scoped3A_8[%rem3A_67, %dma_start3A_70, %dma_start3A_71] : memref<2x128x16xf32, #tpu.memory_space<vmem>> -> memref<1x128x16xf32, #tpu.memory_space<vmem>>
      %dma_start3A_73 = tpu.memref_squeeze %dma_start3A_72 : memref<1x128x16xf32, #tpu.memory_space<vmem>> -> memref<128x16xf32, #tpu.memory_space<vmem>>
      %dma_start3A_74 = arith.constant 0 : i32
      %dma_start3A_75 = tpu.memref_slice %arg4[%mul3A_69, %dma_start3A_74] : memref<4096x16xf32, #tpu.memory_space<hbm>> -> memref<128x16xf32, #tpu.memory_space<hbm>>
      %dma_start3A_76 = tpu.memref_slice %run_scoped3A_9[%rem3A_67] : memref<2x!tpu.dma_semaphore, #tpu.memory_space<semaphore_mem>> -> memref<1x!tpu.dma_semaphore, #tpu.memory_space<semaphore_mem>>
      %dma_start3A_77 = tpu.memref_squeeze %dma_start3A_76 : memref<1x!tpu.dma_semaphore, #tpu.memory_space<semaphore_mem>> -> memref<!tpu.dma_semaphore, #tpu.memory_space<semaphore_mem>>
      %dma_start3A_78 = arith.constant 0 : i32
      %dma_start3A_79 = arith.constant 0 : i32
      %dma_start3A_80 = tpu.memref_slice %run_scoped3A_8[%rem3A_67, %dma_start3A_78, %dma_start3A_79] : memref<2x128x16xf32, #tpu.memory_space<vmem>> -> memref<1x128x16xf32, #tpu.memory_space<vmem>>
      %dma_start3A_81 = tpu.memref_squeeze %dma_start3A_80 : memref<1x128x16xf32, #tpu.memory_space<vmem>> -> memref<128x16xf32, #tpu.memory_space<vmem>>
      %dma_start3A_82 = arith.constant 0 : i32
      %dma_start3A_83 = tpu.memref_slice %arg4[%mul3A_69, %dma_start3A_82] : memref<4096x16xf32, #tpu.memory_space<hbm>> -> memref<128x16xf32, #tpu.memory_space<hbm>>
      tpu.enqueue_dma source(%dma_start3A_83 : memref<128x16xf32, #tpu.memory_space<hbm>>) target(%dma_start3A_81 : memref<128x16xf32, #tpu.memory_space<vmem>>) target_semaphore(%dma_start3A_77 : memref<!tpu.dma_semaphore, #tpu.memory_space<semaphore_mem>>)
      %add3A_84 = arith.constant 0 : i32
      %add3A_85 = arith.constant 1 : i32
      %add3A_86 = arith.addi %add3A_84, %add3A_85 : i32
      %select_n3A_87 = arith.constant true
      %select_n3A_88 = arith.constant 0 : i32
      %select_n3A_89 = arith.select %select_n3A_87, %add3A_86, %select_n3A_88 : i32
      "tpu.trace_stop"() : () -> ()
      %scan3A = arith.constant 0 : i32
      %scan3A_90 = arith.constant 0 : i32
      %scan3A_91 = arith.constant 0 : i32
      %scan3A_92 = arith.constant 0 : i32
      %scan3A_93 = arith.constant 0 : i32
      %scan3A_94 = arith.constant 0 : i32
      %eq3A_95 = arith.constant 0 : i32
      %eq3A_96 = arith.cmpi eq, %scan3A_94, %eq3A_95 : i32
      %eq3A_97 = arith.constant 0 : i32
      %eq3A_98 = arith.cmpi eq, %scan3A_94, %eq3A_97 : i32
      %add3A_99 = arith.constant 0 : i32
      %add3A_100 = arith.addi %add3A_99, %mul3A_6 : i32
      %select_n3A_101 = arith.constant true
      %select_n3A_102 = arith.constant 0 : i32
      %select_n3A_103 = arith.constant -1 : i32
      %select_n3A_104 = arith.select %select_n3A_101, %select_n3A_103, %select_n3A_102 : i32
      %eq3A_105 = arith.constant -1 : i32
      %eq3A_106 = arith.cmpi eq, %select_n3A_104, %eq3A_105 : i32
      %select_n3A_107 = arith.constant 0 : i32
      %select_n3A_108 = arith.select %eq3A_106, %select_n3A_107, %select_n3A_104 : i32
      %add3A_109 = arith.constant 0 : i32
      %add3A_110 = arith.addi %add3A_109, %mul3A_6 : i32
      %select_n3A_111 = arith.constant true
      %select_n3A_112 = arith.constant 0 : i32
      %select_n3A_113 = arith.constant 1 : i32
      %select_n3A_114 = arith.select %select_n3A_111, %select_n3A_113, %select_n3A_112 : i32
      %eq3A_115 = arith.constant 1 : i32
      %eq3A_116 = arith.cmpi eq, %select_n3A_114, %eq3A_115 : i32
      %select_n3A_117 = arith.constant 0 : i32
      %select_n3A_118 = arith.select %eq3A_116, %select_n3A_117, %select_n3A_114 : i32
      %add3A_119 = arith.constant 0 : i32
      %add3A_120 = arith.addi %add3A_119, %mul3A_6 : i32
      %select_n3A_121 = arith.constant true
      %select_n3A_122 = arith.constant 0 : i32
      %select_n3A_123 = arith.constant 1 : i32
      %select_n3A_124 = arith.select %select_n3A_121, %select_n3A_123, %select_n3A_122 : i32
      %eq3A_125 = arith.constant 1 : i32
      %eq3A_126 = arith.cmpi eq, %select_n3A_124, %eq3A_125 : i32
      %select_n3A_127 = arith.constant 0 : i32
      %select_n3A_128 = arith.select %eq3A_126, %select_n3A_127, %select_n3A_124 : i32
      %add3A_129 = arith.constant 0 : i32
      %add3A_130 = arith.addi %add3A_129, %mul3A_6 : i32
      %ne3A = arith.cmpi ne, %add3A_100, %add3A_120 : i32
      %or3A = arith.constant false
      %or3A_131 = arith.ori %or3A, %ne3A : i1
      %ge3A = arith.constant 0 : i32
      %ge3A_132 = arith.cmpi sge, %scan3A_94, %ge3A : i32
      %not3A = arith.constant true
      %not3A_133 = arith.xori %ge3A_132, %not3A : i1
      %and3A = arith.andi %or3A_131, %not3A_133 : i1
      %convert_element_type3A = arith.extui %and3A : i1 to i32
      %cond3A = arith.constant 0 : i32
      %cond3A_134 = arith.cmpi ne, %convert_element_type3A, %cond3A : i32
      scf.if %cond3A_134 {
        "tpu.trace_start"() <{level = 10 : i32, message = "ep_copy_in"}> : () -> ()
        %rem3A_361 = arith.constant 2 : i32
        %rem3A_362 = arith.remui %select_n3A_64, %rem3A_361 : i32
        %mul3A_363 = arith.constant 128 : i32
        %mul3A_364 = arith.muli %mul3A_363, %add3A_120 : i32
        %dma_start3A_365 = arith.constant 0 : i32
        %dma_start3A_366 = arith.constant 0 : i32
        %dma_start3A_367 = tpu.memref_slice %run_scoped3A[%rem3A_362, %dma_start3A_365, %dma_start3A_366] : memref<2x1x128xi32, #tpu.memory_space<vmem>> -> memref<1x1x128xi32, #tpu.memory_space<vmem>>
        %dma_start3A_368 = tpu.memref_squeeze %dma_start3A_367 : memref<1x1x128xi32, #tpu.memory_space<vmem>> -> memref<1x128xi32, #tpu.memory_space<vmem>>
        %dma_start3A_369 = arith.constant 0 : i32
        %dma_start3A_370 = tpu.memref_slice %arg3[%dma_start3A_369, %mul3A_364] : memref<1x4096xi32, #tpu.memory_space<hbm>> -> memref<1x128xi32, #tpu.memory_space<hbm>>
        %dma_start3A_371 = tpu.memref_slice %run_scoped3A_7[%rem3A_362] : memref<2x!tpu.dma_semaphore, #tpu.memory_space<semaphore_mem>> -> memref<1x!tpu.dma_semaphore, #tpu.memory_space<semaphore_mem>>
        %dma_start3A_372 = tpu.memref_squeeze %dma_start3A_371 : memref<1x!tpu.dma_semaphore, #tpu.memory_space<semaphore_mem>> -> memref<!tpu.dma_semaphore, #tpu.memory_space<semaphore_mem>>
        %dma_start3A_373 = arith.constant 0 : i32
        %dma_start3A_374 = arith.constant 0 : i32
        %dma_start3A_375 = tpu.memref_slice %run_scoped3A[%rem3A_362, %dma_start3A_373, %dma_start3A_374] : memref<2x1x128xi32, #tpu.memory_space<vmem>> -> memref<1x1x128xi32, #tpu.memory_space<vmem>>
        %dma_start3A_376 = tpu.memref_squeeze %dma_start3A_375 : memref<1x1x128xi32, #tpu.memory_space<vmem>> -> memref<1x128xi32, #tpu.memory_space<vmem>>
        %dma_start3A_377 = arith.constant 0 : i32
        %dma_start3A_378 = tpu.memref_slice %arg3[%dma_start3A_377, %mul3A_364] : memref<1x4096xi32, #tpu.memory_space<hbm>> -> memref<1x128xi32, #tpu.memory_space<hbm>>
        tpu.enqueue_dma source(%dma_start3A_378 : memref<1x128xi32, #tpu.memory_space<hbm>>) target(%dma_start3A_376 : memref<1x128xi32, #tpu.memory_space<vmem>>) target_semaphore(%dma_start3A_372 : memref<!tpu.dma_semaphore, #tpu.memory_space<semaphore_mem>>)
        "tpu.trace_stop"() : () -> ()
      } else {
      }
      %and3A_135 = arith.constant true
      %and3A_136 = arith.andi %and3A, %and3A_135 : i1
      %add3A_137 = arith.constant 1 : i32
      %add3A_138 = arith.addi %select_n3A_64, %add3A_137 : i32
      %select_n3A_139 = arith.select %and3A_136, %add3A_138, %select_n3A_64 : i32
      %ne3A_140 = arith.cmpi ne, %add3A_100, %add3A_120 : i32
      %or3A_141 = arith.constant false
      %or3A_142 = arith.ori %or3A_141, %ne3A_140 : i1
      %or3A_143 = arith.constant false
      %or3A_144 = arith.ori %or3A_142, %or3A_143 : i1
      %ge3A_145 = arith.constant 0 : i32
      %ge3A_146 = arith.cmpi sge, %scan3A_94, %ge3A_145 : i32
      %not3A_147 = arith.constant true
      %not3A_148 = arith.xori %ge3A_146, %not3A_147 : i1
      %and3A_149 = arith.andi %or3A_144, %not3A_148 : i1
      %convert_element_type3A_150 = arith.extui %and3A_149 : i1 to i32
      %cond3A_151 = arith.constant 0 : i32
      %cond3A_152 = arith.cmpi ne, %convert_element_type3A_150, %cond3A_151 : i32
      scf.if %cond3A_152 {
        "tpu.trace_start"() <{level = 10 : i32, message = "ep_copy_in"}> : () -> ()
        %rem3A_361 = arith.constant 2 : i32
        %rem3A_362 = arith.remui %select_n3A_89, %rem3A_361 : i32
        %mul3A_363 = arith.constant 128 : i32
        %mul3A_364 = arith.muli %mul3A_363, %add3A_120 : i32
        %dma_start3A_365 = arith.constant 0 : i32
        %dma_start3A_366 = arith.constant 0 : i32
        %dma_start3A_367 = tpu.memref_slice %run_scoped3A_8[%rem3A_362, %dma_start3A_365, %dma_start3A_366] : memref<2x128x16xf32, #tpu.memory_space<vmem>> -> memref<1x128x16xf32, #tpu.memory_space<vmem>>
        %dma_start3A_368 = tpu.memref_squeeze %dma_start3A_367 : memref<1x128x16xf32, #tpu.memory_space<vmem>> -> memref<128x16xf32, #tpu.memory_space<vmem>>
        %dma_start3A_369 = arith.constant 0 : i32
        %dma_start3A_370 = tpu.memref_slice %arg4[%mul3A_364, %dma_start3A_369] : memref<4096x16xf32, #tpu.memory_space<hbm>> -> memref<128x16xf32, #tpu.memory_space<hbm>>
        %dma_start3A_371 = tpu.memref_slice %run_scoped3A_9[%rem3A_362] : memref<2x!tpu.dma_semaphore, #tpu.memory_space<semaphore_mem>> -> memref<1x!tpu.dma_semaphore, #tpu.memory_space<semaphore_mem>>
        %dma_start3A_372 = tpu.memref_squeeze %dma_start3A_371 : memref<1x!tpu.dma_semaphore, #tpu.memory_space<semaphore_mem>> -> memref<!tpu.dma_semaphore, #tpu.memory_space<semaphore_mem>>
        %dma_start3A_373 = arith.constant 0 : i32
        %dma_start3A_374 = arith.constant 0 : i32
        %dma_start3A_375 = tpu.memref_slice %run_scoped3A_8[%rem3A_362, %dma_start3A_373, %dma_start3A_374] : memref<2x128x16xf32, #tpu.memory_space<vmem>> -> memref<1x128x16xf32, #tpu.memory_space<vmem>>
        %dma_start3A_376 = tpu.memref_squeeze %dma_start3A_375 : memref<1x128x16xf32, #tpu.memory_space<vmem>> -> memref<128x16xf32, #tpu.memory_space<vmem>>
        %dma_start3A_377 = arith.constant 0 : i32
        %dma_start3A_378 = tpu.memref_slice %arg4[%mul3A_364, %dma_start3A_377] : memref<4096x16xf32, #tpu.memory_space<hbm>> -> memref<128x16xf32, #tpu.memory_space<hbm>>
        tpu.enqueue_dma source(%dma_start3A_378 : memref<128x16xf32, #tpu.memory_space<hbm>>) target(%dma_start3A_376 : memref<128x16xf32, #tpu.memory_space<vmem>>) target_semaphore(%dma_start3A_372 : memref<!tpu.dma_semaphore, #tpu.memory_space<semaphore_mem>>)
        "tpu.trace_stop"() : () -> ()
      } else {
      }
      %and3A_153 = arith.constant true
      %and3A_154 = arith.andi %and3A_149, %and3A_153 : i1
      %add3A_155 = arith.constant 1 : i32
      %add3A_156 = arith.addi %select_n3A_89, %add3A_155 : i32
      %select_n3A_157 = arith.select %and3A_154, %add3A_156, %select_n3A_89 : i32
      %ne3A_158 = arith.cmpi ne, %add3A_100, %add3A_120 : i32
      %or3A_159 = arith.constant false
      %or3A_160 = arith.ori %or3A_159, %ne3A_158 : i1
      %or3A_161 = arith.constant false
      %or3A_162 = arith.ori %or3A_160, %or3A_161 : i1
      %ge3A_163 = arith.constant 0 : i32
      %ge3A_164 = arith.cmpi sge, %scan3A_94, %ge3A_163 : i32
      %not3A_165 = arith.constant true
      %not3A_166 = arith.xori %ge3A_164, %not3A_165 : i1
      %and3A_167 = arith.andi %or3A_162, %not3A_166 : i1
      %ne3A_168 = arith.cmpi ne, %add3A_100, %add3A_110 : i32
      %or3A_169 = arith.constant false
      %or3A_170 = arith.ori %or3A_169, %ne3A_168 : i1
      %or3A_171 = arith.ori %or3A_170, %eq3A_96 : i1
      %convert_element_type3A_172 = arith.extui %or3A_171 : i1 to i32
      %cond3A_173 = arith.constant 0 : i32
      %cond3A_174 = arith.cmpi ne, %convert_element_type3A_172, %cond3A_173 : i32
      scf.if %cond3A_174 {
        "tpu.trace_start"() <{level = 10 : i32, message = "ep_wait_in"}> : () -> ()
        %mul3A_361 = arith.constant 128 : i32
        %mul3A_362 = arith.muli %mul3A_361, %add3A_100 : i32
        %rem3A_363 = arith.constant 2 : i32
        %rem3A_364 = arith.remui %scan3A, %rem3A_363 : i32
        %dma_wait3A_365 = arith.constant 0 : i32
        %dma_wait3A_366 = arith.constant 0 : i32
        %dma_wait3A_367 = tpu.memref_slice %run_scoped3A[%rem3A_364, %dma_wait3A_365, %dma_wait3A_366] : memref<2x1x128xi32, #tpu.memory_space<vmem>> -> memref<1x1x128xi32, #tpu.memory_space<vmem>>
        %dma_wait3A_368 = tpu.memref_squeeze %dma_wait3A_367 : memref<1x1x128xi32, #tpu.memory_space<vmem>> -> memref<1x128xi32, #tpu.memory_space<vmem>>
        %dma_wait3A_369 = arith.constant 0 : i32
        %dma_wait3A_370 = tpu.memref_slice %arg3[%dma_wait3A_369, %mul3A_362] : memref<1x4096xi32, #tpu.memory_space<hbm>> -> memref<1x128xi32, #tpu.memory_space<hbm>>
        %dma_wait3A_371 = tpu.memref_slice %run_scoped3A_7[%rem3A_364] : memref<2x!tpu.dma_semaphore, #tpu.memory_space<semaphore_mem>> -> memref<1x!tpu.dma_semaphore, #tpu.memory_space<semaphore_mem>>
        %dma_wait3A_372 = tpu.memref_squeeze %dma_wait3A_371 : memref<1x!tpu.dma_semaphore, #tpu.memory_space<semaphore_mem>> -> memref<!tpu.dma_semaphore, #tpu.memory_space<semaphore_mem>>
        %dma_wait3A_373 = arith.constant 0 : i32
        %dma_wait3A_374 = arith.constant 0 : i32
        %dma_wait3A_375 = tpu.memref_slice %run_scoped3A[%rem3A_364, %dma_wait3A_373, %dma_wait3A_374] : memref<2x1x128xi32, #tpu.memory_space<vmem>> -> memref<1x1x128xi32, #tpu.memory_space<vmem>>
        %dma_wait3A_376 = tpu.memref_squeeze %dma_wait3A_375 : memref<1x1x128xi32, #tpu.memory_space<vmem>> -> memref<1x128xi32, #tpu.memory_space<vmem>>
        %dma_wait3A_377 = arith.constant 0 : i32
        %dma_wait3A_378 = tpu.memref_slice %arg3[%dma_wait3A_377, %mul3A_362] : memref<1x4096xi32, #tpu.memory_space<hbm>> -> memref<1x128xi32, #tpu.memory_space<hbm>>
        tpu.wait_dma2 semaphore(%dma_wait3A_372 : memref<!tpu.dma_semaphore, #tpu.memory_space<semaphore_mem>>) src(%dma_wait3A_378 : memref<1x128xi32, #tpu.memory_space<hbm>>) dst(%dma_wait3A_376 : memref<1x128xi32, #tpu.memory_space<vmem>>)
        "tpu.trace_stop"() : () -> ()
      } else {
      }
      %ne3A_175 = arith.cmpi ne, %add3A_100, %add3A_110 : i32
      %or3A_176 = arith.constant false
      %or3A_177 = arith.ori %or3A_176, %ne3A_175 : i1
      %or3A_178 = arith.constant false
      %or3A_179 = arith.ori %or3A_177, %or3A_178 : i1
      %or3A_180 = arith.ori %or3A_179, %eq3A_96 : i1
      %convert_element_type3A_181 = arith.extui %or3A_180 : i1 to i32
      %cond3A_182 = arith.constant 0 : i32
      %cond3A_183 = arith.cmpi ne, %convert_element_type3A_181, %cond3A_182 : i32
      scf.if %cond3A_183 {
        "tpu.trace_start"() <{level = 10 : i32, message = "ep_wait_in"}> : () -> ()
        %mul3A_361 = arith.constant 128 : i32
        %mul3A_362 = arith.muli %mul3A_361, %add3A_100 : i32
        %rem3A_363 = arith.constant 2 : i32
        %rem3A_364 = arith.remui %scan3A_90, %rem3A_363 : i32
        %dma_wait3A_365 = arith.constant 0 : i32
        %dma_wait3A_366 = arith.constant 0 : i32
        %dma_wait3A_367 = tpu.memref_slice %run_scoped3A_8[%rem3A_364, %dma_wait3A_365, %dma_wait3A_366] : memref<2x128x16xf32, #tpu.memory_space<vmem>> -> memref<1x128x16xf32, #tpu.memory_space<vmem>>
        %dma_wait3A_368 = tpu.memref_squeeze %dma_wait3A_367 : memref<1x128x16xf32, #tpu.memory_space<vmem>> -> memref<128x16xf32, #tpu.memory_space<vmem>>
        %dma_wait3A_369 = arith.constant 0 : i32
        %dma_wait3A_370 = tpu.memref_slice %arg4[%mul3A_362, %dma_wait3A_369] : memref<4096x16xf32, #tpu.memory_space<hbm>> -> memref<128x16xf32, #tpu.memory_space<hbm>>
        %dma_wait3A_371 = tpu.memref_slice %run_scoped3A_9[%rem3A_364] : memref<2x!tpu.dma_semaphore, #tpu.memory_space<semaphore_mem>> -> memref<1x!tpu.dma_semaphore, #tpu.memory_space<semaphore_mem>>
        %dma_wait3A_372 = tpu.memref_squeeze %dma_wait3A_371 : memref<1x!tpu.dma_semaphore, #tpu.memory_space<semaphore_mem>> -> memref<!tpu.dma_semaphore, #tpu.memory_space<semaphore_mem>>
        %dma_wait3A_373 = arith.constant 0 : i32
        %dma_wait3A_374 = arith.constant 0 : i32
        %dma_wait3A_375 = tpu.memref_slice %run_scoped3A_8[%rem3A_364, %dma_wait3A_373, %dma_wait3A_374] : memref<2x128x16xf32, #tpu.memory_space<vmem>> -> memref<1x128x16xf32, #tpu.memory_space<vmem>>
        %dma_wait3A_376 = tpu.memref_squeeze %dma_wait3A_375 : memref<1x128x16xf32, #tpu.memory_space<vmem>> -> memref<128x16xf32, #tpu.memory_space<vmem>>
        %dma_wait3A_377 = arith.constant 0 : i32
        %dma_wait3A_378 = tpu.memref_slice %arg4[%mul3A_362, %dma_wait3A_377] : memref<4096x16xf32, #tpu.memory_space<hbm>> -> memref<128x16xf32, #tpu.memory_space<hbm>>
        tpu.wait_dma2 semaphore(%dma_wait3A_372 : memref<!tpu.dma_semaphore, #tpu.memory_space<semaphore_mem>>) src(%dma_wait3A_378 : memref<128x16xf32, #tpu.memory_space<hbm>>) dst(%dma_wait3A_376 : memref<128x16xf32, #tpu.memory_space<vmem>>)
        "tpu.trace_stop"() : () -> ()
      } else {
      }
      %ne3A_184 = arith.cmpi ne, %add3A_100, %add3A_110 : i32
      %or3A_185 = arith.constant false
      %or3A_186 = arith.ori %or3A_185, %ne3A_184 : i1
      %or3A_187 = arith.constant false
      %or3A_188 = arith.ori %or3A_186, %or3A_187 : i1
      %or3A_189 = arith.ori %or3A_188, %eq3A_96 : i1
      %convert_element_type3A_190 = arith.extui %or3A_189 : i1 to i32
      %cond3A_191 = arith.constant 0 : i32
      %cond3A_192 = arith.cmpi ne, %convert_element_type3A_190, %cond3A_191 : i32
      scf.if %cond3A_192 {
      } else {
      }
      %rem3A_193 = arith.constant 2 : i32
      %rem3A_194 = arith.remui %scan3A, %rem3A_193 : i32
      %rem3A_195 = arith.constant 2 : i32
      %rem3A_196 = arith.remui %scan3A_90, %rem3A_195 : i32
      %rem3A_197 = arith.constant 2 : i32
      %rem3A_198 = arith.remui %scan3A_91, %rem3A_197 : i32
      %run_scoped3A_199 = arith.constant 0 : i32
      "tpu.trace_start"() <{level = 10 : i32, message = "ep_run_kernel"}> : () -> ()
      "tpu.region"() ({
        %run_scoped3A_361 = tpu.sem_alloc : memref<!tpu.dma_semaphore, #tpu.memory_space<semaphore_mem>>
        %dma_start3A_362 = arith.constant 0 : i32
        %dma_start3A_363 = arith.constant 0 : i32
        %dma_start3A_364 = tpu.memref_slice %run_scoped3A[%rem3A_194, %dma_start3A_362, %dma_start3A_363] : memref<2x1x128xi32, #tpu.memory_space<vmem>> -> memref<1x1x128xi32, #tpu.memory_space<vmem>>
        %dma_start3A_365 = tpu.memref_squeeze %dma_start3A_364 : memref<1x1x128xi32, #tpu.memory_space<vmem>> -> memref<1x128xi32, #tpu.memory_space<vmem>>
        %dma_start3A_366 = arith.constant 0 : i32
        %dma_start3A_367 = tpu.memref_slice %dma_start3A_365[%run_scoped3A_199, %dma_start3A_366] : memref<1x128xi32, #tpu.memory_space<vmem>> -> memref<1x128xi32, #tpu.memory_space<vmem>>
        %dma_start3A_368 = tpu.memref_squeeze %dma_start3A_367 : memref<1x128xi32, #tpu.memory_space<vmem>> -> memref<128xi32, #tpu.memory_space<vmem>>
        %dma_start3A_369 = arith.constant 0 : i32
        %dma_start3A_370 = arith.constant 0 : i32
        %dma_start3A_371 = tpu.memref_slice %arg2[%dma_start3A_369, %dma_start3A_370] : memref<512x128xf32, #tpu.memory_space<hbm>> -> memref<512x128xf32, #tpu.memory_space<hbm>>
        tpu.enqueue_indirect_dma source(%dma_start3A_371 : memref<512x128xf32, #tpu.memory_space<hbm>>) target(%arg6 : memref<128x128xf32, #tpu.memory_space<vmem>>) offsets(%dma_start3A_368 : memref<128xi32, #tpu.memory_space<vmem>>) semaphore(%run_scoped3A_361 : memref<!tpu.dma_semaphore, #tpu.memory_space<semaphore_mem>>)
        %dma_wait3A_372 = arith.constant 0 : i32
        %dma_wait3A_373 = arith.constant 0 : i32
        %dma_wait3A_374 = tpu.memref_slice %run_scoped3A[%rem3A_194, %dma_wait3A_372, %dma_wait3A_373] : memref<2x1x128xi32, #tpu.memory_space<vmem>> -> memref<1x1x128xi32, #tpu.memory_space<vmem>>
        %dma_wait3A_375 = tpu.memref_squeeze %dma_wait3A_374 : memref<1x1x128xi32, #tpu.memory_space<vmem>> -> memref<1x128xi32, #tpu.memory_space<vmem>>
        %dma_wait3A_376 = arith.constant 0 : i32
        %dma_wait3A_377 = tpu.memref_slice %dma_wait3A_375[%run_scoped3A_199, %dma_wait3A_376] : memref<1x128xi32, #tpu.memory_space<vmem>> -> memref<1x128xi32, #tpu.memory_space<vmem>>
        %dma_wait3A_378 = tpu.memref_squeeze %dma_wait3A_377 : memref<1x128xi32, #tpu.memory_space<vmem>> -> memref<128xi32, #tpu.memory_space<vmem>>
        %dma_wait3A_379 = arith.constant 0 : i32
        %dma_wait3A_380 = arith.constant 0 : i32
        %dma_wait3A_381 = tpu.memref_slice %arg2[%dma_wait3A_379, %dma_wait3A_380] : memref<512x128xf32, #tpu.memory_space<hbm>> -> memref<512x128xf32, #tpu.memory_space<hbm>>
        tpu.wait_indirect_dma semaphore(%run_scoped3A_361 : memref<!tpu.dma_semaphore, #tpu.memory_space<semaphore_mem>>) src(%dma_wait3A_381 : memref<512x128xf32, #tpu.memory_space<hbm>>) dst(%arg6 : memref<128x128xf32, #tpu.memory_space<vmem>>)
        tpu.yield
      }) : () -> ()
      %scan3A_200 = arith.constant 0 : i32
      %scan3A_201 = arith.constant 128 : i32
      %scan3A_202 = arith.addi %scan3A_200, %scan3A_201 : i32
      %scan3A_203 = arith.constant 1 : i32
      scf.for %scan3A_361 = %scan3A_200 to %scan3A_202 step %scan3A_203  : i32 {
        %mul3A_362 = arith.constant 1 : i32
        %mul3A_363 = arith.muli %scan3A_361, %mul3A_362 : i32
        %add3A_364 = arith.constant 0 : i32
        %add3A_365 = arith.addi %add3A_364, %mul3A_363 : i32
        %get3A = arith.index_cast %add3A_365 : i32 to index
        %get3A_366 = arith.constant 0 : index
        %get3A_367 = tpu.vector_load %arg6[%get3A, %get3A_366] {strides = array<i32>} : memref<128x128xf32, #tpu.memory_space<vmem>>, vector<1x16xf32>,
        %get3A_368 = vector.shape_cast %get3A_367 : vector<1x16xf32> to vector<1x16xf32>
        %get3A_369 = arith.constant 0 : i32
        %get3A_370 = arith.constant 0 : i32
        %get3A_371 = tpu.memref_slice %run_scoped3A_8[%rem3A_196, %get3A_369, %get3A_370] : memref<2x128x16xf32, #tpu.memory_space<vmem>> -> memref<1x128x16xf32, #tpu.memory_space<vmem>>
        %get3A_372 = tpu.memref_squeeze %get3A_371 : memref<1x128x16xf32, #tpu.memory_space<vmem>> -> memref<128x16xf32, #tpu.memory_space<vmem>>
        %get3A_373 = arith.index_cast %add3A_365 : i32 to index
        %get3A_374 = arith.constant 0 : index
        %get3A_375 = tpu.vector_load %get3A_372[%get3A_373, %get3A_374] {strides = array<i32>} : memref<128x16xf32, #tpu.memory_space<vmem>>, vector<1x16xf32>,
        %get3A_376 = vector.shape_cast %get3A_375 : vector<1x16xf32> to vector<1x16xf32>
        %add3A_377 = arith.addf %get3A_368, %get3A_376 : vector<1x16xf32>
        %swap3A = arith.constant 0 : i32
        %swap3A_378 = arith.constant 0 : i32
        %swap3A_379 = tpu.memref_slice %run_scoped3A_10[%rem3A_198, %swap3A, %swap3A_378] : memref<2x128x16xf32, #tpu.memory_space<vmem>> -> memref<1x128x16xf32, #tpu.memory_space<vmem>>
        %swap3A_380 = tpu.memref_squeeze %swap3A_379 : memref<1x128x16xf32, #tpu.memory_space<vmem>> -> memref<128x16xf32, #tpu.memory_space<vmem>>
        %swap3A_381 = arith.index_cast %add3A_365 : i32 to index
        %swap3A_382 = arith.constant 0 : index
        %swap3A_383 = tpu.vector_load %swap3A_380[%swap3A_381, %swap3A_382] {strides = array<i32>} : memref<128x16xf32, #tpu.memory_space<vmem>>, vector<1x16xf32>,
        %swap3A_384 = vector.shape_cast %swap3A_383 : vector<1x16xf32> to vector<1x16xf32>
        %swap3A_385 = vector.shape_cast %add3A_377 : vector<1x16xf32> to vector<1x16xf32>
        tpu.vector_store %swap3A_380[%swap3A_381, %swap3A_382], %swap3A_385 {strides = array<i32>} : memref<128x16xf32, #tpu.memory_space<vmem>>, vector<1x16xf32>,
      }
      %scan3A_204 = arith.constant 128 : i32
      "tpu.trace_stop"() : () -> ()
      %ne3A_205 = arith.cmpi ne, %add3A_100, %add3A_120 : i32
      %or3A_206 = arith.constant false
      %or3A_207 = arith.ori %or3A_206, %ne3A_205 : i1
      %or3A_208 = arith.ori %or3A_207, %eq3A_98 : i1
      %convert_element_type3A_209 = arith.extui %or3A_208 : i1 to i32
      %cond3A_210 = arith.constant 0 : i32
      %cond3A_211 = arith.cmpi ne, %convert_element_type3A_209, %cond3A_210 : i32
      scf.if %cond3A_211 {
      } else {
      }
      %and3A_212 = arith.constant false
      %and3A_213 = arith.andi %or3A_208, %and3A_212 : i1
      %ne3A_214 = arith.cmpi ne, %add3A_100, %add3A_120 : i32
      %or3A_215 = arith.constant false
      %or3A_216 = arith.ori %or3A_215, %ne3A_214 : i1
      %or3A_217 = arith.constant false
      %or3A_218 = arith.ori %or3A_216, %or3A_217 : i1
      %or3A_219 = arith.ori %or3A_218, %eq3A_98 : i1
      %convert_element_type3A_220 = arith.extui %or3A_219 : i1 to i32
      %cond3A_221 = arith.constant 0 : i32
      %cond3A_222 = arith.cmpi ne, %convert_element_type3A_220, %cond3A_221 : i32
      scf.if %cond3A_222 {
      } else {
      }
      %and3A_223 = arith.constant false
      %and3A_224 = arith.andi %or3A_219, %and3A_223 : i1
      %ne3A_225 = arith.cmpi ne, %add3A_100, %add3A_120 : i32
      %or3A_226 = arith.constant false
      %or3A_227 = arith.ori %or3A_226, %ne3A_225 : i1
      %or3A_228 = arith.constant false
      %or3A_229 = arith.ori %or3A_227, %or3A_228 : i1
      %or3A_230 = arith.ori %or3A_229, %eq3A_98 : i1
      %convert_element_type3A_231 = arith.extui %or3A_230 : i1 to i32
      %cond3A_232 = arith.constant 0 : i32
      %cond3A_233 = arith.cmpi ne, %convert_element_type3A_231, %cond3A_232 : i32
      scf.if %cond3A_233 {
        "tpu.trace_start"() <{level = 10 : i32, message = "ep_copy_out"}> : () -> ()
        %rem3A_361 = arith.constant 2 : i32
        %rem3A_362 = arith.remui %scan3A_91, %rem3A_361 : i32
        %mul3A_363 = arith.constant 128 : i32
        %mul3A_364 = arith.muli %mul3A_363, %add3A_100 : i32
        %dma_start3A_365 = arith.constant 0 : i32
        %dma_start3A_366 = arith.constant 0 : i32
        %dma_start3A_367 = tpu.memref_slice %run_scoped3A_10[%rem3A_362, %dma_start3A_365, %dma_start3A_366] : memref<2x128x16xf32, #tpu.memory_space<vmem>> -> memref<1x128x16xf32, #tpu.memory_space<vmem>>
        %dma_start3A_368 = tpu.memref_squeeze %dma_start3A_367 : memref<1x128x16xf32, #tpu.memory_space<vmem>> -> memref<128x16xf32, #tpu.memory_space<vmem>>
        %dma_start3A_369 = arith.constant 0 : i32
        %dma_start3A_370 = tpu.memref_slice %arg5[%mul3A_364, %dma_start3A_369] : memref<4096x16xf32, #tpu.memory_space<hbm>> -> memref<128x16xf32, #tpu.memory_space<hbm>>
        %dma_start3A_371 = tpu.memref_slice %run_scoped3A_11[%rem3A_362] : memref<2x!tpu.dma_semaphore, #tpu.memory_space<semaphore_mem>> -> memref<1x!tpu.dma_semaphore, #tpu.memory_space<semaphore_mem>>
        %dma_start3A_372 = tpu.memref_squeeze %dma_start3A_371 : memref<1x!tpu.dma_semaphore, #tpu.memory_space<semaphore_mem>> -> memref<!tpu.dma_semaphore, #tpu.memory_space<semaphore_mem>>
        %dma_start3A_373 = arith.constant 0 : i32
        %dma_start3A_374 = tpu.memref_slice %arg5[%mul3A_364, %dma_start3A_373] : memref<4096x16xf32, #tpu.memory_space<hbm>> -> memref<128x16xf32, #tpu.memory_space<hbm>>
        %dma_start3A_375 = arith.constant 0 : i32
        %dma_start3A_376 = arith.constant 0 : i32
        %dma_start3A_377 = tpu.memref_slice %run_scoped3A_10[%rem3A_362, %dma_start3A_375, %dma_start3A_376] : memref<2x128x16xf32, #tpu.memory_space<vmem>> -> memref<1x128x16xf32, #tpu.memory_space<vmem>>
        %dma_start3A_378 = tpu.memref_squeeze %dma_start3A_377 : memref<1x128x16xf32, #tpu.memory_space<vmem>> -> memref<128x16xf32, #tpu.memory_space<vmem>>
        tpu.enqueue_dma source(%dma_start3A_378 : memref<128x16xf32, #tpu.memory_space<vmem>>) target(%dma_start3A_374 : memref<128x16xf32, #tpu.memory_space<hbm>>) target_semaphore(%dma_start3A_372 : memref<!tpu.dma_semaphore, #tpu.memory_space<semaphore_mem>>)
        "tpu.trace_stop"() : () -> ()
      } else {
      }
      %and3A_234 = arith.constant true
      %and3A_235 = arith.andi %or3A_230, %and3A_234 : i1
      %add3A_236 = arith.constant 1 : i32
      %add3A_237 = arith.addi %scan3A_91, %add3A_236 : i32
      %select_n3A_238 = arith.select %and3A_235, %add3A_237, %scan3A_91 : i32
      %ne3A_239 = arith.cmpi ne, %add3A_100, %add3A_110 : i32
      %or3A_240 = arith.constant false
      %or3A_241 = arith.ori %or3A_240, %ne3A_239 : i1
      %not3A_242 = arith.constant true
      %not3A_243 = arith.xori %eq3A_96, %not3A_242 : i1
      %and3A_244 = arith.andi %or3A_241, %not3A_243 : i1
      %convert_element_type3A_245 = arith.extui %and3A_244 : i1 to i32
      %cond3A_246 = arith.constant 0 : i32
      %cond3A_247 = arith.cmpi ne, %convert_element_type3A_245, %cond3A_246 : i32
      scf.if %cond3A_247 {
      } else {
      }
      %and3A_248 = arith.constant false
      %and3A_249 = arith.andi %and3A_244, %and3A_248 : i1
      %ne3A_250 = arith.cmpi ne, %add3A_100, %add3A_110 : i32
      %or3A_251 = arith.constant false
      %or3A_252 = arith.ori %or3A_251, %ne3A_250 : i1
      %or3A_253 = arith.constant false
      %or3A_254 = arith.ori %or3A_252, %or3A_253 : i1
      %not3A_255 = arith.constant true
      %not3A_256 = arith.xori %eq3A_96, %not3A_255 : i1
      %and3A_257 = arith.andi %or3A_254, %not3A_256 : i1
      %convert_element_type3A_258 = arith.extui %and3A_257 : i1 to i32
      %cond3A_259 = arith.constant 0 : i32
      %cond3A_260 = arith.cmpi ne, %convert_element_type3A_258, %cond3A_259 : i32
      scf.if %cond3A_260 {
      } else {
      }
      %and3A_261 = arith.constant false
      %and3A_262 = arith.andi %and3A_257, %and3A_261 : i1
      %ne3A_263 = arith.cmpi ne, %add3A_100, %add3A_110 : i32
      %or3A_264 = arith.constant false
      %or3A_265 = arith.ori %or3A_264, %ne3A_263 : i1
      %or3A_266 = arith.constant false
      %or3A_267 = arith.ori %or3A_265, %or3A_266 : i1
      %not3A_268 = arith.constant true
      %not3A_269 = arith.xori %eq3A_96, %not3A_268 : i1
      %and3A_270 = arith.andi %or3A_267, %not3A_269 : i1
      %convert_element_type3A_271 = arith.extui %and3A_270 : i1 to i32
      %cond3A_272 = arith.constant 0 : i32
      %cond3A_273 = arith.cmpi ne, %convert_element_type3A_271, %cond3A_272 : i32
      scf.if %cond3A_273 {
        "tpu.trace_start"() <{level = 10 : i32, message = "ep_wait_out"}> : () -> ()
        %rem3A_361 = arith.constant 2 : i32
        %rem3A_362 = arith.remui %scan3A_92, %rem3A_361 : i32
        %mul3A_363 = arith.constant 128 : i32
        %mul3A_364 = arith.muli %mul3A_363, %add3A_110 : i32
        %dma_wait3A_365 = arith.constant 0 : i32
        %dma_wait3A_366 = arith.constant 0 : i32
        %dma_wait3A_367 = tpu.memref_slice %run_scoped3A_10[%rem3A_362, %dma_wait3A_365, %dma_wait3A_366] : memref<2x128x16xf32, #tpu.memory_space<vmem>> -> memref<1x128x16xf32, #tpu.memory_space<vmem>>
        %dma_wait3A_368 = tpu.memref_squeeze %dma_wait3A_367 : memref<1x128x16xf32, #tpu.memory_space<vmem>> -> memref<128x16xf32, #tpu.memory_space<vmem>>
        %dma_wait3A_369 = arith.constant 0 : i32
        %dma_wait3A_370 = tpu.memref_slice %arg5[%mul3A_364, %dma_wait3A_369] : memref<4096x16xf32, #tpu.memory_space<hbm>> -> memref<128x16xf32, #tpu.memory_space<hbm>>
        %dma_wait3A_371 = tpu.memref_slice %run_scoped3A_11[%rem3A_362] : memref<2x!tpu.dma_semaphore, #tpu.memory_space<semaphore_mem>> -> memref<1x!tpu.dma_semaphore, #tpu.memory_space<semaphore_mem>>
        %dma_wait3A_372 = tpu.memref_squeeze %dma_wait3A_371 : memref<1x!tpu.dma_semaphore, #tpu.memory_space<semaphore_mem>> -> memref<!tpu.dma_semaphore, #tpu.memory_space<semaphore_mem>>
        %dma_wait3A_373 = arith.constant 0 : i32
        %dma_wait3A_374 = tpu.memref_slice %arg5[%mul3A_364, %dma_wait3A_373] : memref<4096x16xf32, #tpu.memory_space<hbm>> -> memref<128x16xf32, #tpu.memory_space<hbm>>
        %dma_wait3A_375 = arith.constant 0 : i32
        %dma_wait3A_376 = arith.constant 0 : i32
        %dma_wait3A_377 = tpu.memref_slice %run_scoped3A_10[%rem3A_362, %dma_wait3A_375, %dma_wait3A_376] : memref<2x128x16xf32, #tpu.memory_space<vmem>> -> memref<1x128x16xf32, #tpu.memory_space<vmem>>
        %dma_wait3A_378 = tpu.memref_squeeze %dma_wait3A_377 : memref<1x128x16xf32, #tpu.memory_space<vmem>> -> memref<128x16xf32, #tpu.memory_space<vmem>>
        tpu.wait_dma2 semaphore(%dma_wait3A_372 : memref<!tpu.dma_semaphore, #tpu.memory_space<semaphore_mem>>) src(%dma_wait3A_378 : memref<128x16xf32, #tpu.memory_space<vmem>>) dst(%dma_wait3A_374 : memref<128x16xf32, #tpu.memory_space<hbm>>)
        "tpu.trace_stop"() : () -> ()
      } else {
      }
      %and3A_274 = arith.constant true
      %and3A_275 = arith.andi %and3A_270, %and3A_274 : i1
      %add3A_276 = arith.constant 1 : i32
      %add3A_277 = arith.addi %scan3A_92, %add3A_276 : i32
      %select_n3A_278 = arith.select %and3A_275, %add3A_277, %scan3A_92 : i32
      %ne3A_279 = arith.cmpi ne, %add3A_100, %add3A_120 : i32
      %or3A_280 = arith.constant false
      %or3A_281 = arith.ori %or3A_280, %ne3A_279 : i1
      %or3A_282 = arith.ori %or3A_281, %eq3A_98 : i1
      %add3A_283 = arith.constant 1 : i32
      %add3A_284 = arith.addi %scan3A, %add3A_283 : i32
      %select_n3A_285 = arith.select %or3A_282, %add3A_284, %scan3A : i32
      %ne3A_286 = arith.cmpi ne, %add3A_100, %add3A_120 : i32
      %or3A_287 = arith.constant false
      %or3A_288 = arith.ori %or3A_287, %ne3A_286 : i1
      %or3A_289 = arith.constant false
      %or3A_290 = arith.ori %or3A_288, %or3A_289 : i1
      %or3A_291 = arith.ori %or3A_290, %eq3A_98 : i1
      %add3A_292 = arith.constant 1 : i32
      %add3A_293 = arith.addi %scan3A_90, %add3A_292 : i32
      %select_n3A_294 = arith.select %or3A_291, %add3A_293, %scan3A_90 : i32
      %select_n3A_295 = arith.constant true
      %select_n3A_296 = arith.constant 0 : i32
      %select_n3A_297 = arith.constant 1 : i32
      %select_n3A_298 = arith.select %select_n3A_295, %select_n3A_297, %select_n3A_296 : i32
      %eq3A_299 = arith.constant 1 : i32
      %eq3A_300 = arith.cmpi eq, %select_n3A_298, %eq3A_299 : i32
      %select_n3A_301 = arith.constant 0 : i32
      %select_n3A_302 = arith.select %eq3A_300, %select_n3A_301, %select_n3A_298 : i32
      %scan3A_303 = arith.constant 0 : i32
      %scan3A_304 = arith.constant 1 : i32
      %sub3A = arith.constant 1 : i32
      %sub3A_305 = arith.subi %scan3A_303, %sub3A : i32
      %select_n3A_306 = arith.constant true
      %select_n3A_307 = arith.select %select_n3A_306, %sub3A_305, %scan3A_303 : i32
      %eq3A_308 = arith.constant -1 : i32
      %eq3A_309 = arith.cmpi eq, %select_n3A_307, %eq3A_308 : i32
      %select_n3A_310 = arith.constant 0 : i32
      %select_n3A_311 = arith.select %eq3A_309, %select_n3A_310, %select_n3A_307 : i32
      %add3A_312 = arith.constant 0 : i32
      %add3A_313 = arith.addi %add3A_312, %mul3A_6 : i32
      %select_n3A_314 = arith.constant true
      %select_n3A_315 = arith.constant 0 : i32
      %select_n3A_316 = arith.constant -1 : i32
      %select_n3A_317 = arith.select %select_n3A_314, %select_n3A_316, %select_n3A_315 : i32
      %eq3A_318 = arith.constant -1 : i32
      %eq3A_319 = arith.cmpi eq, %select_n3A_317, %eq3A_318 : i32
      %select_n3A_320 = arith.constant 0 : i32
      %select_n3A_321 = arith.select %eq3A_319, %select_n3A_320, %select_n3A_317 : i32
      %add3A_322 = arith.constant 0 : i32
      %add3A_323 = arith.addi %add3A_322, %mul3A_6 : i32
      %select_n3A_324 = arith.constant true
      %select_n3A_325 = arith.constant 0 : i32
      %select_n3A_326 = arith.constant 1 : i32
      %select_n3A_327 = arith.select %select_n3A_324, %select_n3A_326, %select_n3A_325 : i32
      %eq3A_328 = arith.constant 1 : i32
      %eq3A_329 = arith.cmpi eq, %select_n3A_327, %eq3A_328 : i32
      %select_n3A_330 = arith.constant 0 : i32
      %select_n3A_331 = arith.select %eq3A_329, %select_n3A_330, %select_n3A_327 : i32
      %add3A_332 = arith.constant 0 : i32
      %add3A_333 = arith.addi %add3A_332, %mul3A_6 : i32
      %select_n3A_334 = arith.constant true
      %select_n3A_335 = arith.constant 0 : i32
      %select_n3A_336 = arith.constant 1 : i32
      %select_n3A_337 = arith.select %select_n3A_334, %select_n3A_336, %select_n3A_335 : i32
      %eq3A_338 = arith.constant 1 : i32
      %eq3A_339 = arith.cmpi eq, %select_n3A_337, %eq3A_338 : i32
      %select_n3A_340 = arith.constant 0 : i32
      %select_n3A_341 = arith.select %eq3A_339, %select_n3A_340, %select_n3A_337 : i32
      %add3A_342 = arith.constant 0 : i32
      %add3A_343 = arith.addi %add3A_342, %mul3A_6 : i32
      "tpu.trace_start"() <{level = 10 : i32, message = "ep_finalize"}> : () -> ()
      %rem3A_344 = arith.constant 2 : i32
      %rem3A_345 = arith.remui %select_n3A_278, %rem3A_344 : i32
      %mul3A_346 = arith.constant 128 : i32
      %mul3A_347 = arith.muli %mul3A_346, %add3A_313 : i32
      %dma_wait3A = arith.constant 0 : i32
      %dma_wait3A_348 = arith.constant 0 : i32
      %dma_wait3A_349 = tpu.memref_slice %run_scoped3A_10[%rem3A_345, %dma_wait3A, %dma_wait3A_348] : memref<2x128x16xf32, #tpu.memory_space<vmem>> -> memref<1x128x16xf32, #tpu.memory_space<vmem>>
      %dma_wait3A_350 = tpu.memref_squeeze %dma_wait3A_349 : memref<1x128x16xf32, #tpu.memory_space<vmem>> -> memref<128x16xf32, #tpu.memory_space<vmem>>
      %dma_wait3A_351 = arith.constant 0 : i32
      %dma_wait3A_352 = tpu.memref_slice %arg5[%mul3A_347, %dma_wait3A_351] : memref<4096x16xf32, #tpu.memory_space<hbm>> -> memref<128x16xf32, #tpu.memory_space<hbm>>
      %dma_wait3A_353 = tpu.memref_slice %run_scoped3A_11[%rem3A_345] : memref<2x!tpu.dma_semaphore, #tpu.memory_space<semaphore_mem>> -> memref<1x!tpu.dma_semaphore, #tpu.memory_space<semaphore_mem>>
      %dma_wait3A_354 = tpu.memref_squeeze %dma_wait3A_353 : memref<1x!tpu.dma_semaphore, #tpu.memory_space<semaphore_mem>> -> memref<!tpu.dma_semaphore, #tpu.memory_space<semaphore_mem>>
      %dma_wait3A_355 = arith.constant 0 : i32
      %dma_wait3A_356 = tpu.memref_slice %arg5[%mul3A_347, %dma_wait3A_355] : memref<4096x16xf32, #tpu.memory_space<hbm>> -> memref<128x16xf32, #tpu.memory_space<hbm>>
      %dma_wait3A_357 = arith.constant 0 : i32
      %dma_wait3A_358 = arith.constant 0 : i32
      %dma_wait3A_359 = tpu.memref_slice %run_scoped3A_10[%rem3A_345, %dma_wait3A_357, %dma_wait3A_358] : memref<2x128x16xf32, #tpu.memory_space<vmem>> -> memref<1x128x16xf32, #tpu.memory_space<vmem>>
      %dma_wait3A_360 = tpu.memref_squeeze %dma_wait3A_359 : memref<1x128x16xf32, #tpu.memory_space<vmem>> -> memref<128x16xf32, #tpu.memory_space<vmem>>
      tpu.wait_dma2 semaphore(%dma_wait3A_354 : memref<!tpu.dma_semaphore, #tpu.memory_space<semaphore_mem>>) src(%dma_wait3A_360 : memref<128x16xf32, #tpu.memory_space<vmem>>) dst(%dma_wait3A_356 : memref<128x16xf32, #tpu.memory_space<hbm>>)
      "tpu.trace_stop"() : () -> ()
      tpu.yield
    }) : () -> ()
    return
  }
}

module attributes {stable_mosaic.version = 14 : i64} {
  func.func @_k1_softmax_stats(%arg0: i32, %arg1: memref<512x512xf32, #tpu.memory_space<vmem>>, %arg2: memref<512x16xf32, #tpu.memory_space<vmem>>, %arg3: memref<4x512x512xf32, #tpu.memory_space<vmem>>, %arg4: memref<512x1xf32, #tpu.memory_space<vmem>>, %arg5: memref<512x16xf32, #tpu.memory_space<vmem>>, %arg6: memref<512x1xi32, #tpu.memory_space<vmem>>, %arg7: memref<512x32x16xf32, #tpu.memory_space<vmem>>) attributes {dimension_semantics = [#tpu.dimension_semantics<arbitrary>], iteration_bounds = array<i64: 8>, scalar_prefetch = 0 : i64, scratch_operands = 0 : i64, tpu.core_type = #tpu.core_type<tc>, window_params = [{transform_indices = @transform_0, window_bounds = array<i64: 512, 512>}, {transform_indices = @transform_1, window_bounds = array<i64: 512, 16>}, {transform_indices = @transform_2, window_bounds = array<i64: 4, 512, 512>}, {pipeline_mode = #tpu.pipeline_mode<synchronous>, transform_indices = @transform_3, window_bounds = array<i64: 512, 1>}, {pipeline_mode = #tpu.pipeline_mode<synchronous>, transform_indices = @transform_4, window_bounds = array<i64: 512, 16>}, {transform_indices = @transform_5, window_bounds = array<i64: 512, 1>}, {pipeline_mode = #tpu.pipeline_mode<synchronous>, transform_indices = @transform_6, window_bounds = array<i64: 512, 32, 16>}]} {
    %get3A = arith.constant 0 : index
    %get3A_0 = arith.constant 0 : index
    %get3A_1 = vector.load %arg1[%get3A, %get3A_0] : memref<512x512xf32, #tpu.memory_space<vmem>>, vector<512x512xf32>
    %reduce_max3A = arith.constant dense<0xFF800000> : vector<512xf32>
    %reduce_max3A_2 = vector.multi_reduction <maximumf>, %get3A_1, %reduce_max3A [1] : vector<512x512xf32> to vector<512xf32>
    %broadcast_in_dim3A = vector.shape_cast %reduce_max3A_2 : vector<512xf32> to vector<512x1xf32>
    %sub3A = vector.broadcast %broadcast_in_dim3A : vector<512x1xf32> to vector<512x512xf32>
    %sub3A_3 = arith.subf %get3A_1, %sub3A : vector<512x512xf32>
    %exp3A = math.exp %sub3A_3 : vector<512x512xf32>
    %reduce_sum3A = arith.constant dense<0.000000e+00> : vector<512xf32>
    %reduce_sum3A_4 = vector.multi_reduction <add>, %exp3A, %reduce_sum3A [1] : vector<512x512xf32> to vector<512xf32>
    %broadcast_in_dim3A_5 = vector.shape_cast %reduce_sum3A_4 : vector<512xf32> to vector<512x1xf32>
    %div3A = vector.broadcast %broadcast_in_dim3A_5 : vector<512x1xf32> to vector<512x512xf32>
    %div3A_6 = arith.divf %exp3A, %div3A : vector<512x512xf32>
    %broadcast_in_dim3A_7 = vector.shape_cast %div3A_6 : vector<512x512xf32> to vector<1x512x512xf32>
    %broadcast_in_dim3A_8 = vector.shape_cast %broadcast_in_dim3A_7 : vector<1x512x512xf32> to vector<1x512x512xf32>
    %broadcast_in_dim3A_9 = vector.broadcast %broadcast_in_dim3A_8 : vector<1x512x512xf32> to vector<4x512x512xf32>
    %swap3A = arith.constant 0 : index
    %swap3A_10 = arith.constant 0 : index
    %swap3A_11 = arith.constant 0 : index
    %swap3A_12 = vector.load %arg3[%swap3A, %swap3A_10, %swap3A_11] : memref<4x512x512xf32, #tpu.memory_space<vmem>>, vector<4x512x512xf32>
    tpu.vector_store %arg3[%swap3A, %swap3A_10, %swap3A_11], %broadcast_in_dim3A_9 {strides = array<i32>} : memref<4x512x512xf32, #tpu.memory_space<vmem>>, vector<4x512x512xf32>,
    %iota3A = tpu.iota {dimensions = array<i32: 1>} : vector<512x512xi32>
    %eq3A = vector.broadcast %broadcast_in_dim3A : vector<512x1xf32> to vector<512x512xf32>
    %eq3A_13 = arith.cmpf oeq, %get3A_1, %eq3A : vector<512x512xf32>
    %jit3A = arith.constant 512 : i32
    %broadcast_in_dim3A_14 = vector.broadcast %jit3A : i32 to vector<512x512xi32>
    %select_n3A = arith.select %eq3A_13, %iota3A, %broadcast_in_dim3A_14 : vector<512x512xi1>, vector<512x512xi32>
    %reduce_min3A = arith.constant dense<2147483647> : vector<512xi32>
    %reduce_min3A_15 = vector.multi_reduction <minsi>, %select_n3A, %reduce_min3A [1] : vector<512x512xi32> to vector<512xi32>
    %broadcast_in_dim3A_16 = vector.shape_cast %reduce_min3A_15 : vector<512xi32> to vector<512x1xi32>
    %swap3A_17 = arith.constant 0 : index
    %swap3A_18 = arith.constant 0 : index
    %swap3A_19 = vector.load %arg6[%swap3A_17, %swap3A_18] : memref<512x1xi32, #tpu.memory_space<vmem>>, vector<512x1xi32>
    tpu.vector_store %arg6[%swap3A_17, %swap3A_18], %broadcast_in_dim3A_16 {strides = array<i32>} : memref<512x1xi32, #tpu.memory_space<vmem>>, vector<512x1xi32>,
    %transpose3A = tpu.transpose %div3A_6, [1, 0] : vector<512x512xf32> -> vector<512x512xf32>
    %reduce_sum3A_20 = arith.constant dense<0.000000e+00> : vector<512xf32>
    %reduce_sum3A_21 = vector.multi_reduction <add>, %transpose3A, %reduce_sum3A_20 [1] : vector<512x512xf32> to vector<512xf32>
    %broadcast_in_dim3A_22 = vector.shape_cast %reduce_sum3A_21 : vector<512xf32> to vector<512x1xf32>
    %get3A_23 = arith.constant 0 : index
    %get3A_24 = arith.constant 0 : index
    %get3A_25 = vector.load %arg2[%get3A_23, %get3A_24] : memref<512x16xf32, #tpu.memory_space<vmem>>, vector<512x16xf32>
    %dot_general3A = arith.constant dense<0.000000e+00> : vector<512x16xf32>
    %dot_general3A_26 = tpu.matmul %transpose3A, %get3A_25, %dot_general3A {dimension_numbers = #tpu.dot_dimension_numbers<[1], [0], [0], [1], [0, 0, 1, 1], [], []>, transpose_lhs_hint = false} : vector<512x512xf32>, vector<512x16xf32>, vector<512x16xf32> -> vector<512x16xf32>
    %eq3A_27 = arith.constant 0 : i32
    %eq3A_28 = arith.cmpi eq, %arg0, %eq3A_27 : i32
    %convert_element_type3A = arith.extui %eq3A_28 : i1 to i32
    %cond3A = arith.constant 0 : i32
    %cond3A_29 = arith.cmpi ne, %convert_element_type3A, %cond3A : i32
    scf.if %cond3A_29 {
      %swap3A_39 = arith.constant 0 : index
      %swap3A_40 = arith.constant 0 : index
      %swap3A_41 = vector.load %arg4[%swap3A_39, %swap3A_40] : memref<512x1xf32, #tpu.memory_space<vmem>>, vector<512x1xf32>
      tpu.vector_store %arg4[%swap3A_39, %swap3A_40], %broadcast_in_dim3A_22 {strides = array<i32>} : memref<512x1xf32, #tpu.memory_space<vmem>>, vector<512x1xf32>,
      %swap3A_42 = arith.constant 0 : index
      %swap3A_43 = arith.constant 0 : index
      %swap3A_44 = vector.load %arg5[%swap3A_42, %swap3A_43] : memref<512x16xf32, #tpu.memory_space<vmem>>, vector<512x16xf32>
      tpu.vector_store %arg5[%swap3A_42, %swap3A_43], %dot_general3A_26 {strides = array<i32>} : memref<512x16xf32, #tpu.memory_space<vmem>>, vector<512x16xf32>,
    } else {
    }
    %ne3A = arith.constant 0 : i32
    %ne3A_30 = arith.cmpi ne, %arg0, %ne3A : i32
    %convert_element_type3A_31 = arith.extui %ne3A_30 : i1 to i32
    %cond3A_32 = arith.constant 0 : i32
    %cond3A_33 = arith.cmpi ne, %convert_element_type3A_31, %cond3A_32 : i32
    scf.if %cond3A_33 {
      %get3A_39 = arith.constant 0 : index
      %get3A_40 = arith.constant 0 : index
      %get3A_41 = vector.load %arg4[%get3A_39, %get3A_40] : memref<512x1xf32, #tpu.memory_space<vmem>>, vector<512x1xf32>
      %add3A = arith.addf %get3A_41, %broadcast_in_dim3A_22 : vector<512x1xf32>
      %swap3A_42 = arith.constant 0 : index
      %swap3A_43 = arith.constant 0 : index
      %swap3A_44 = vector.load %arg4[%swap3A_42, %swap3A_43] : memref<512x1xf32, #tpu.memory_space<vmem>>, vector<512x1xf32>
      tpu.vector_store %arg4[%swap3A_42, %swap3A_43], %add3A {strides = array<i32>} : memref<512x1xf32, #tpu.memory_space<vmem>>, vector<512x1xf32>,
      %get3A_45 = arith.constant 0 : index
      %get3A_46 = arith.constant 0 : index
      %get3A_47 = vector.load %arg5[%get3A_45, %get3A_46] : memref<512x16xf32, #tpu.memory_space<vmem>>, vector<512x16xf32>
      %add3A_48 = arith.addf %get3A_47, %dot_general3A_26 : vector<512x16xf32>
      %swap3A_49 = arith.constant 0 : index
      %swap3A_50 = arith.constant 0 : index
      %swap3A_51 = vector.load %arg5[%swap3A_49, %swap3A_50] : memref<512x16xf32, #tpu.memory_space<vmem>>, vector<512x16xf32>
      tpu.vector_store %arg5[%swap3A_49, %swap3A_50], %add3A_48 {strides = array<i32>} : memref<512x16xf32, #tpu.memory_space<vmem>>, vector<512x16xf32>,
    } else {
    }
    %eq3A_34 = arith.constant 7 : i32
    %eq3A_35 = arith.cmpi eq, %arg0, %eq3A_34 : i32
    %convert_element_type3A_36 = arith.extui %eq3A_35 : i1 to i32
    %cond3A_37 = arith.constant 0 : i32
    %cond3A_38 = arith.cmpi ne, %convert_element_type3A_36, %cond3A_37 : i32
    scf.if %cond3A_38 {
      %get3A_39 = arith.constant 0 : index
      %get3A_40 = arith.constant 0 : index
      %get3A_41 = vector.load %arg4[%get3A_39, %get3A_40] : memref<512x1xf32, #tpu.memory_space<vmem>>, vector<512x1xf32>
      %add3A = arith.constant 9.99999993E-9 : f32
      %add3A_42 = vector.broadcast %add3A : f32 to vector<512x1xf32>
      %add3A_43 = arith.addf %get3A_41, %add3A_42 : vector<512x1xf32>
      %div3A_44 = arith.constant 1.000000e+00 : f32
      %div3A_45 = vector.broadcast %div3A_44 : f32 to vector<512x1xf32>
      %div3A_46 = arith.divf %div3A_45, %add3A_43 : vector<512x1xf32>
      %get3A_47 = arith.constant 0 : index
      %get3A_48 = arith.constant 0 : index
      %get3A_49 = vector.load %arg5[%get3A_47, %get3A_48] : memref<512x16xf32, #tpu.memory_space<vmem>>, vector<512x16xf32>
      %mul3A = vector.broadcast %div3A_46 : vector<512x1xf32> to vector<512x16xf32>
      %mul3A_50 = arith.mulf %get3A_49, %mul3A : vector<512x16xf32>
      %slice3A = vector.extract_strided_slice %mul3A_50 {offsets = [1, 0], sizes = [32, 16], strides = [1, 1]} : vector<512x16xf32> to vector<32x16xf32>
      %broadcast_in_dim3A_51 = vector.shape_cast %slice3A : vector<32x16xf32> to vector<1x32x16xf32>
      %broadcast_in_dim3A_52 = vector.shape_cast %mul3A_50 : vector<512x16xf32> to vector<512x1x16xf32>
      %sub3A_53 = vector.broadcast %broadcast_in_dim3A_51 : vector<1x32x16xf32> to vector<512x32x16xf32>
      %sub3A_54 = vector.broadcast %broadcast_in_dim3A_52 : vector<512x1x16xf32> to vector<512x32x16xf32>
      %sub3A_55 = arith.subf %sub3A_53, %sub3A_54 : vector<512x32x16xf32>
      %swap3A_56 = arith.constant 0 : index
      %swap3A_57 = arith.constant 0 : index
      %swap3A_58 = arith.constant 0 : index
      %swap3A_59 = vector.load %arg7[%swap3A_56, %swap3A_57, %swap3A_58] : memref<512x32x16xf32, #tpu.memory_space<vmem>>, vector<512x32x16xf32>
      tpu.vector_store %arg7[%swap3A_56, %swap3A_57, %swap3A_58], %sub3A_55 {strides = array<i32>} : memref<512x32x16xf32, #tpu.memory_space<vmem>>, vector<512x32x16xf32>,
    } else {
    }
    return
  }
  func.func @transform_0(%arg0: i32) -> (i32, i32) {
    %c0_i32 = arith.constant 0 : i32
    %c0_i32_0 = arith.constant 0 : i32
    return %arg0, %c0_i32 : i32, i32
  }
  func.func @transform_1(%arg0: i32) -> (i32, i32) {
    %c0_i32 = arith.constant 0 : i32
    %c0_i32_0 = arith.constant 0 : i32
    return %arg0, %c0_i32 : i32, i32
  }
  func.func @transform_2(%arg0: i32) -> (i32, i32, i32) {
    %c0_i32 = arith.constant 0 : i32
    %c0_i32_0 = arith.constant 0 : i32
    %c0_i32_1 = arith.constant 0 : i32
    return %c0_i32, %arg0, %c0_i32_0 : i32, i32, i32
  }
  func.func @transform_3(%arg0: i32) -> (i32, i32) {
    %c0_i32 = arith.constant 0 : i32
    %c0_i32_0 = arith.constant 0 : i32
    %c0_i32_1 = arith.constant 0 : i32
    return %c0_i32, %c0_i32_0 : i32, i32
  }
  func.func @transform_4(%arg0: i32) -> (i32, i32) {
    %c0_i32 = arith.constant 0 : i32
    %c0_i32_0 = arith.constant 0 : i32
    %c0_i32_1 = arith.constant 0 : i32
    return %c0_i32, %c0_i32_0 : i32, i32
  }
  func.func @transform_5(%arg0: i32) -> (i32, i32) {
    %c0_i32 = arith.constant 0 : i32
    %c0_i32_0 = arith.constant 0 : i32
    return %arg0, %c0_i32 : i32, i32
  }
  func.func @transform_6(%arg0: i32) -> (i32, i32, i32) {
    %c0_i32 = arith.constant 0 : i32
    %c0_i32_0 = arith.constant 0 : i32
    %c0_i32_1 = arith.constant 0 : i32
    %c0_i32_2 = arith.constant 0 : i32
    return %c0_i32, %c0_i32_0, %c0_i32_1 : i32, i32, i32
  }
}

module attributes {stable_mosaic.version = 14 : i64} {
  func.func @_k2_big_matmul(%arg0: i32, %arg1: memref<128x16384xf32, #tpu.memory_space<vmem>>, %arg2: memref<16384x16xf32, #tpu.memory_space<vmem>>, %arg3: memref<1x128x512xf32, #tpu.memory_space<vmem>>, %arg4: memref<512x16xf32, #tpu.memory_space<vmem>>, %arg5: memref<512x1xf32, #tpu.memory_space<vmem>>, %arg6: memref<128x16xf32, #tpu.memory_space<vmem>>, %arg7: memref<512x16xf32, #tpu.memory_space<vmem>>, %arg8: memref<512x128xf32, #tpu.memory_space<vmem>>) attributes {dimension_semantics = [#tpu.dimension_semantics<arbitrary>], iteration_bounds = array<i64: 32>, scalar_prefetch = 0 : i64, scratch_operands = 0 : i64, tpu.core_type = #tpu.core_type<tc>, window_params = [{transform_indices = @transform_0, window_bounds = array<i64: 128, 16384>}, {pipeline_mode = #tpu.pipeline_mode<synchronous>, transform_indices = @transform_1, window_bounds = array<i64: 16384, 16>}, {transform_indices = @transform_2, window_bounds = array<i64: 1, 128, 512>}, {pipeline_mode = #tpu.pipeline_mode<synchronous>, transform_indices = @transform_3, window_bounds = array<i64: 512, 16>}, {pipeline_mode = #tpu.pipeline_mode<synchronous>, transform_indices = @transform_4, window_bounds = array<i64: 512, 1>}, {transform_indices = @transform_5, window_bounds = array<i64: 128, 16>}, {pipeline_mode = #tpu.pipeline_mode<synchronous>, transform_indices = @transform_6, window_bounds = array<i64: 512, 16>}, {pipeline_mode = #tpu.pipeline_mode<synchronous>, transform_indices = @transform_7, window_bounds = array<i64: 512, 128>}]} {
    %get3A = arith.constant 0 : index
    %get3A_0 = arith.constant 0 : index
    %get3A_1 = vector.load %arg1[%get3A, %get3A_0] : memref<128x16384xf32, #tpu.memory_space<vmem>>, vector<128x16384xf32>
    %get3A_2 = arith.constant 0 : index
    %get3A_3 = arith.constant 0 : index
    %get3A_4 = vector.load %arg2[%get3A_2, %get3A_3] : memref<16384x16xf32, #tpu.memory_space<vmem>>, vector<16384x16xf32>
    %dot_general3A = arith.constant dense<0.000000e+00> : vector<128x16xf32>
    %dot_general3A_5 = tpu.matmul %get3A_1, %get3A_4, %dot_general3A {dimension_numbers = #tpu.dot_dimension_numbers<[1], [0], [0], [1], [0, 0, 1, 1], [], []>, transpose_lhs_hint = false} : vector<128x16384xf32>, vector<16384x16xf32>, vector<128x16xf32> -> vector<128x16xf32>
    %swap3A = arith.constant 0 : index
    %swap3A_6 = arith.constant 0 : index
    %swap3A_7 = vector.load %arg6[%swap3A, %swap3A_6] : memref<128x16xf32, #tpu.memory_space<vmem>>, vector<128x16xf32>
    tpu.vector_store %arg6[%swap3A, %swap3A_6], %dot_general3A_5 {strides = array<i32>} : memref<128x16xf32, #tpu.memory_space<vmem>>, vector<128x16xf32>,
    %get3A_8 = arith.constant 0 : index
    %get3A_9 = arith.constant 0 : index
    %get3A_10 = arith.constant 0 : index
    %get3A_11 = vector.load %arg3[%get3A_8, %get3A_9, %get3A_10] : memref<1x128x512xf32, #tpu.memory_space<vmem>>, vector<1x128x512xf32>
    %get3A_12 = vector.shape_cast %get3A_11 : vector<1x128x512xf32> to vector<128x512xf32>
    %transpose3A = tpu.transpose %get3A_12, [1, 0] : vector<128x512xf32> -> vector<512x128xf32>
    %dot_general3A_13 = arith.constant dense<0.000000e+00> : vector<512x16xf32>
    %dot_general3A_14 = tpu.matmul %transpose3A, %dot_general3A_5, %dot_general3A_13 {dimension_numbers = #tpu.dot_dimension_numbers<[1], [0], [0], [1], [0, 0, 1, 1], [], []>, transpose_lhs_hint = false} : vector<512x128xf32>, vector<128x16xf32>, vector<512x16xf32> -> vector<512x16xf32>
    %eq3A = arith.constant 0 : i32
    %eq3A_15 = arith.cmpi eq, %arg0, %eq3A : i32
    %convert_element_type3A = arith.extui %eq3A_15 : i1 to i32
    %cond3A = arith.constant 0 : i32
    %cond3A_16 = arith.cmpi ne, %convert_element_type3A, %cond3A : i32
    scf.if %cond3A_16 {
      %swap3A_26 = arith.constant 0 : index
      %swap3A_27 = arith.constant 0 : index
      %swap3A_28 = vector.load %arg7[%swap3A_26, %swap3A_27] : memref<512x16xf32, #tpu.memory_space<vmem>>, vector<512x16xf32>
      tpu.vector_store %arg7[%swap3A_26, %swap3A_27], %dot_general3A_14 {strides = array<i32>} : memref<512x16xf32, #tpu.memory_space<vmem>>, vector<512x16xf32>,
    } else {
    }
    %ne3A = arith.constant 0 : i32
    %ne3A_17 = arith.cmpi ne, %arg0, %ne3A : i32
    %convert_element_type3A_18 = arith.extui %ne3A_17 : i1 to i32
    %cond3A_19 = arith.constant 0 : i32
    %cond3A_20 = arith.cmpi ne, %convert_element_type3A_18, %cond3A_19 : i32
    scf.if %cond3A_20 {
      %get3A_26 = arith.constant 0 : index
      %get3A_27 = arith.constant 0 : index
      %get3A_28 = vector.load %arg7[%get3A_26, %get3A_27] : memref<512x16xf32, #tpu.memory_space<vmem>>, vector<512x16xf32>
      %add3A = arith.addf %get3A_28, %dot_general3A_14 : vector<512x16xf32>
      %swap3A_29 = arith.constant 0 : index
      %swap3A_30 = arith.constant 0 : index
      %swap3A_31 = vector.load %arg7[%swap3A_29, %swap3A_30] : memref<512x16xf32, #tpu.memory_space<vmem>>, vector<512x16xf32>
      tpu.vector_store %arg7[%swap3A_29, %swap3A_30], %add3A {strides = array<i32>} : memref<512x16xf32, #tpu.memory_space<vmem>>, vector<512x16xf32>,
    } else {
    }
    %eq3A_21 = arith.constant 31 : i32
    %eq3A_22 = arith.cmpi eq, %arg0, %eq3A_21 : i32
    %convert_element_type3A_23 = arith.extui %eq3A_22 : i1 to i32
    %cond3A_24 = arith.constant 0 : i32
    %cond3A_25 = arith.cmpi ne, %convert_element_type3A_23, %cond3A_24 : i32
    scf.if %cond3A_25 {
      %get3A_26 = arith.constant 0 : index
      %get3A_27 = arith.constant 0 : index
      %get3A_28 = vector.load %arg5[%get3A_26, %get3A_27] : memref<512x1xf32, #tpu.memory_space<vmem>>, vector<512x1xf32>
      %add3A = arith.constant 9.99999993E-9 : f32
      %add3A_29 = vector.broadcast %add3A : f32 to vector<512x1xf32>
      %add3A_30 = arith.addf %get3A_28, %add3A_29 : vector<512x1xf32>
      %div3A = arith.constant 1.000000e+00 : f32
      %div3A_31 = vector.broadcast %div3A : f32 to vector<512x1xf32>
      %div3A_32 = arith.divf %div3A_31, %add3A_30 : vector<512x1xf32>
      %get3A_33 = arith.constant 0 : index
      %get3A_34 = arith.constant 0 : index
      %get3A_35 = vector.load %arg4[%get3A_33, %get3A_34] : memref<512x16xf32, #tpu.memory_space<vmem>>, vector<512x16xf32>
      %get3A_36 = arith.constant 0 : index
      %get3A_37 = arith.constant 0 : index
      %get3A_38 = vector.load %arg7[%get3A_36, %get3A_37] : memref<512x16xf32, #tpu.memory_space<vmem>>, vector<512x16xf32>
      %sub3A = arith.subf %get3A_35, %get3A_38 : vector<512x16xf32>
      %mul3A = vector.broadcast %div3A_32 : vector<512x1xf32> to vector<512x16xf32>
      %mul3A_39 = arith.mulf %sub3A, %mul3A : vector<512x16xf32>
      %broadcast_in_dim3A = arith.constant 0.000000e+00 : f32
      %broadcast_in_dim3A_40 = vector.broadcast %broadcast_in_dim3A : f32 to vector<512x112xf32>
      %concatenate3A = tpu.concatenate %mul3A_39, %broadcast_in_dim3A_40 in 1 : vector<512x16xf32>, vector<512x112xf32> -> vector<512x128xf32>
      %swap3A_41 = arith.constant 0 : index
      %swap3A_42 = arith.constant 0 : index
      %swap3A_43 = vector.load %arg8[%swap3A_41, %swap3A_42] : memref<512x128xf32, #tpu.memory_space<vmem>>, vector<512x128xf32>
      tpu.vector_store %arg8[%swap3A_41, %swap3A_42], %concatenate3A {strides = array<i32>} : memref<512x128xf32, #tpu.memory_space<vmem>>, vector<512x128xf32>,
    } else {
    }
    return
  }
  func.func @transform_0(%arg0: i32) -> (i32, i32) {
    %c0_i32 = arith.constant 0 : i32
    %c0_i32_0 = arith.constant 0 : i32
    return %arg0, %c0_i32 : i32, i32
  }
  func.func @transform_1(%arg0: i32) -> (i32, i32) {
    %c0_i32 = arith.constant 0 : i32
    %c0_i32_0 = arith.constant 0 : i32
    %c0_i32_1 = arith.constant 0 : i32
    return %c0_i32, %c0_i32_0 : i32, i32
  }
  func.func @transform_2(%arg0: i32) -> (i32, i32, i32) {
    %c0_i32 = arith.constant 0 : i32
    %c0_i32_0 = arith.constant 0 : i32
    %c0_i32_1 = arith.constant 0 : i32
    return %c0_i32, %arg0, %c0_i32_0 : i32, i32, i32
  }
  func.func @transform_3(%arg0: i32) -> (i32, i32) {
    %c0_i32 = arith.constant 0 : i32
    %c0_i32_0 = arith.constant 0 : i32
    %c0_i32_1 = arith.constant 0 : i32
    return %c0_i32, %c0_i32_0 : i32, i32
  }
  func.func @transform_4(%arg0: i32) -> (i32, i32) {
    %c0_i32 = arith.constant 0 : i32
    %c0_i32_0 = arith.constant 0 : i32
    %c0_i32_1 = arith.constant 0 : i32
    return %c0_i32, %c0_i32_0 : i32, i32
  }
  func.func @transform_5(%arg0: i32) -> (i32, i32) {
    %c0_i32 = arith.constant 0 : i32
    %c0_i32_0 = arith.constant 0 : i32
    return %arg0, %c0_i32 : i32, i32
  }
  func.func @transform_6(%arg0: i32) -> (i32, i32) {
    %c0_i32 = arith.constant 0 : i32
    %c0_i32_0 = arith.constant 0 : i32
    %c0_i32_1 = arith.constant 0 : i32
    return %c0_i32, %c0_i32_0 : i32, i32
  }
  func.func @transform_7(%arg0: i32) -> (i32, i32) {
    %c0_i32 = arith.constant 0 : i32
    %c0_i32_0 = arith.constant 0 : i32
    %c0_i32_1 = arith.constant 0 : i32
    return %c0_i32, %c0_i32_0 : i32, i32
  }
}

</mosaic_0001>

<sc_bundles>
// kernel: kernel.5.cloned.1.call-start
scs
__scs_entry_jumppad:
0x0: {  	(pc) =	sbr.rel $0x88, $3  }
0x1: {  	(tag) =	ssettag $0x0;
	lr =	simm.s32 $0x1  }
0x2: {  	[smem:$0x3F9E] =	sst lr;
	_ =	strace $0xD0000000  }
0x3: {  	_ = 	snop  }
0x4: {  	_ = 	snop  }
0x5: {  	_ = 	snop  }
0x6: {  	_ = 	snop  }
0x7: {  	_ = 	snop  }
__scs_overlays_trampoline_lowered:
0x8: {  	[smem:$0x3FAD] =	sst s0  }
0x9: {  	[smem:$0x3FAE] =	sst s1  }
0xa: {  	[smem:$0x3FAF] =	sst s2  }
0xb: {  	[smem:$0x3FB0] =	sst s3  }
0xc: {  	[smem:$0x3FB1] =	sst s4  }
0xd: {  	[smem:$0x3FB2] =	sst s5  }
0xe: {  	[smem:$0x3FB3] =	sst s6  }
0xf: {  	[smem:$0x3FB4] =	sst s7  }
0x10: {  	[smem:$0x3FB5] =	sst s8  }
0x11: {  	[smem:$0x3FB6] =	sst s9;
	s0 =	simm.s32 @!p0 $0x0  }
0x12: {  	s1 =	sld [smem:$0x3F9C];
	s0 =	simm.s32 @p0 $0x1  }
0x13: {  	[smem:$0x3FB7] =	sst s0;
	s0 =	simm.s32 @!p1 $0x0  }
0x14: {  	s2 =	sld [smem:$0x3F9B];
	s0 =	simm.s32 @p1 $0x1  }
0x15: {  	[smem:$0x3FB8] =	sst s0;
	s0 =	simm.s32 @!p2 $0x0  }
0x16: {  	s3 =	sld [smem:$0x3FDB];
	s0 =	simm.s32 @p2 $0x1  }
0x17: {  	s4 =	simm.s32 $0x1BF5;
	[smem:$0x3FBA] =	sst s0  }
0x18: {  	s0 =	sld [smem:$0x3F9D];
	_ =	swait.ge [sflag:s4], $0x0  }
0x19: {  	s7 =	sld [smem:$0x3F9E]  }
0x1a: {  	s8 =	sadd.s32 $0xFFFFE003, lr  }
0x1b: {  	s9 =	sadd.s32 $0xFFFFFEF7, lr;
	s5 =	simm.s32 $0xFFFFFFFF;
	p2 =	slt.u32 s8, $0xFFFFF086  }
0x1c: {  	p1 =	slt.u32 s9, $0xF7A;
	s5 =	simm.s32 @!p2 $0x0  }
0x1d: {  	s5 =	simm.s32 @p1 $0x1;
	p0 =	seq.s32 s7, s2  }
0x1e: {  	s7 =	smul.u32 @!p0 $0xF7A, s2;
	p2 =	seq.s32 @!p0 s5, $0x0  }
0x1f: {  	s9 =	smul.u32 $0xF7A, s1;
	s8 =	simm.s32 @!p0 $0x1BF5;
	p2 =	por !p2, p0  }
0x20: {  	[sflag:s8] =	ssyncset.s32 @!p0 $0xFFFFF086;
	s6 =	sadd.s32 @!p0 s3, s7;
	s7 =	simm.s32 @!p0 $0x108  }
0x21: {  	s3 =	sadd.s32 s3, s9;
	s6 =	sadd.s32 @!p0 $0x88, s6;
	s7 =	simm.s32 @p2 $0x1082  }
0x22: {  	[simem:s7], [sflag:s8] =	dma.local @!p0 [hbm:s6], $0xF7A  }
0x23: {  	s9 =	sor.u32 $0xD0000000, s2;
	s6 =	simm.s32 $0x108;
	_ =	swait.ge @!p0 [sflag:s8], $0x0  }
0x24: {  	s3 =	sadd.s32 $0x88, s3;
	s6 =	simm.s32 @!p1 $0x1082;
	[sflag:s4] =	ssyncset.s32 $0xFFFFF086  }
0x25: {  	[simem:s6], [sflag:s4] =	dma.local [hbm:s3], $0xF7A  }
0x26: {  	[smem:$0x3F9E] =	sst s1;
	(tag) =	ssettag s2;
	_ =	strace s9  }
0x27: {  	s1 =	sld [smem:$0x3FAE]  }
0x28: {  	s2 =	sld [smem:$0x3FAF]  }
0x29: {  	s4 =	sld [smem:$0x3FB1]  }
0x2a: {  	p0 =	seq.s32 s5, $0x0;
	s5 =	sld [smem:$0x3FB2]  }
0x2b: {  	s6 =	sld [smem:$0x3FB3]  }
0x2c: {  	s7 =	sld [smem:$0x3FB4]  }
0x2d: {  	s3 =	simm.s32 $0x108;
	s8 =	sld [smem:$0x3FB5]  }
0x2e: {  	s3 =	simm.s32 @!p0 $0x1082;
	s9 =	sld [smem:$0x3FB6]  }
0x2f: {  	lr =	sadd.s32 s0, s3;
	s0 =	sld [smem:$0x3FAD]  }
0x30: {  	s3 =	sld [smem:$0x3FB0]  }
0x31: {  	[smem:$0x3FB9] =	sst s10  }
0x32: {  	s10 =	sld [smem:$0x3FB7];
	_ =	sdelay $0x3  }
0x33: {  	p0 =	seq.s32 s10, $0x1;
	s10 =	sld [smem:$0x3FB9];
	_ =	sdelay $0x3  }
0x34: {  	[smem:$0x3FB9] =	sst s10  }
0x35: {  	s10 =	sld [smem:$0x3FB8];
	_ =	sdelay $0x3  }
0x36: {  	p1 =	seq.s32 s10, $0x1;
	s10 =	sld [smem:$0x3FB9];
	_ =	sdelay $0x3  }
0x37: {  	[smem:$0x3FB9] =	sst s10  }
0x38: {  	s10 =	sld [smem:$0x3FBA]  }
0x39: {  	_ = 	snop;
	(pc) =	sbr.ind lr, $3  }
0x3a: {  	_ = 	snop  }
0x3b: {  	_ = 	snop  }
0x3c: {  	p2 =	seq.s32 s10, $0x1;
	s10 =	sld [smem:$0x3FB9]  }
0x3d: {  	_ =	shalt  }
0x3e: {  	_ =	shalt  }
0x3f: {  	_ =	shalt  }
0x40: {  	_ =	shalt  }
0x41: {  	_ =	shalt  }
0x42: {  	_ =	shalt  }
0x43: {  	_ =	shalt  }
0x44: {  	_ =	shalt  }
0x45: {  	_ =	shalt  }
0x46: {  	_ =	shalt  }
0x47: {  	_ =	shalt  }
0x48: {  	_ =	shalt  }
0x49: {  	_ =	shalt  }
0x4a: {  	_ =	shalt  }
0x4b: {  	_ =	shalt  }
0x4c: {  	_ =	shalt  }
0x4d: {  	_ =	shalt  }
0x4e: {  	_ =	shalt  }
0x4f: {  	_ =	shalt  }
0x50: {  	_ =	shalt  }
0x51: {  	_ =	shalt  }
0x52: {  	_ =	shalt  }
0x53: {  	_ =	shalt  }
0x54: {  	_ =	shalt  }
0x55: {  	_ =	shalt  }
0x56: {  	_ =	shalt  }
0x57: {  	_ =	shalt  }
0x58: {  	_ =	shalt  }
0x59: {  	_ =	shalt  }
0x5a: {  	_ =	shalt  }
0x5b: {  	_ =	shalt  }
0x5c: {  	_ =	shalt  }
0x5d: {  	_ =	shalt  }
0x5e: {  	_ =	shalt  }
0x5f: {  	_ =	shalt  }
0x60: {  	_ =	shalt  }
0x61: {  	_ =	shalt  }
0x62: {  	_ =	shalt  }
0x63: {  	_ =	shalt  }
0x64: {  	_ =	shalt  }
0x65: {  	_ =	shalt  }
0x66: {  	_ =	shalt  }
0x67: {  	_ =	shalt  }
0x68: {  	_ =	shalt  }
0x69: {  	_ =	shalt  }
0x6a: {  	_ =	shalt  }
0x6b: {  	_ =	shalt  }
0x6c: {  	_ =	shalt  }
0x6d: {  	_ =	shalt  }
0x6e: {  	_ =	shalt  }
0x6f: {  	_ =	shalt  }
0x70: {  	_ =	shalt  }
0x71: {  	_ =	shalt  }
0x72: {  	_ =	shalt  }
0x73: {  	_ =	shalt  }
0x74: {  	_ =	shalt  }
0x75: {  	_ =	shalt  }
0x76: {  	_ =	shalt  }
0x77: {  	_ =	shalt  }
0x78: {  	_ =	shalt  }
0x79: {  	_ =	shalt  }
0x7a: {  	_ =	shalt  }
0x7b: {  	_ =	shalt  }
0x7c: {  	_ =	shalt  }
0x7d: {  	_ =	shalt  }
0x7e: {  	_ =	shalt  }
0x7f: {  	_ =	shalt  }
0x80: {  	_ =	shalt  }
0x81: {  	_ =	shalt  }
0x82: {  	_ =	shalt  }
0x83: {  	_ =	shalt  }
0x84: {  	_ =	shalt  }
0x85: {  	_ =	shalt  }
0x86: {  	_ =	shalt  }
0x87: {  	_ =	shalt  }
.Lfunc_end0:
.L_simem_size_0:
called_computation_lowered:
.L_overlay_start_0:
0x88: {  	s2 =	sld [smem:$0x3FD9]  }
0x89: {  	s3 =	sld [smem:$0x3FFE];
	_ =	sdelay $0x1  }
0x8a: {  	s1 =	srdreg.scid  }
0x8b: {  	s0 =	sand.u32 $0x1, s1  }
0x8c: {  	s14 =	sshll.u32 s0, $0xA;
	s2 =	sadd.s32 s3, s2  }
0x8d: {  	s2 =	sadd.s32 s2, s14  }
0x8e: {  	[smem:$0x3FC5] =	sst s2  }
0x8f: {  	_ = 	snop  }
0x90: {  	s2 =	sld [smem:$0x3FD0];
	_ =	sdelay $0x2  }
0x91: {  	s15 =	simm.s32 $0xA;
	s4 =	simm.s32 $0x10  }
0x92: {  	[smem:s4], [sflag:s15] =	dma.local [hbm:s2], $0x1  }
0x93: {  	_ =	swait.eq [sflag:s15], $0x1  }
0x94: {  	[sflag:s15] =	ssyncset.done $0x0  }
0x95: {  	[sflag:s15] =	ssyncadd.s32 $0xFFFFFFFF  }
0x96: {  	s16 =	sld [smem:$0x12];
	(tm) =	ssettm $0x1  }
0x97: {  	s17 =	sld [smem:$0x3FFB];
	_ =	sdelay $0x3  }
0x98: {  	_ =	strace s17  }
0x99: {  	s3 =	sld [smem:$0x3FFC];
	_ =	sdelay $0x3  }
0x9a: {  	_ =	strace s3  }
0x9b: {  	s3 =	sld [smem:$0x3FFD];
	_ =	sdelay $0x3  }
0x9c: {  	_ =	strace s3  }
0x9d: {  	_ =	strace $0x8FFFFFFF  }
0x9e: {  	s18 =	sld [smem:$0x3FDB];
	_ =	sdelay $0x1  }
0x9f: {  	s19 =	simm.s32 $_scs_section_size  }
0xa0: {  	s5 =	simm.s32 $_size__tile_overlayer_lowered;
	s6 =	simm.s32 $_tile_overlayer_lowered  }
0xa1: {  	s22 =	simm.s32 $0x1BFF;
	s21 =	sshll.u32 s6, $0x1;
	s3 =	sadd.s32 s19, s18  }
0xa2: {  	s7 =	simm.s32 $0x0;
	s20 =	sshll.u32 s5, $0x1;
	s5 =	sadd.s32 s21, s3  }
0xa3: {  	[timem:s7], [sflag:s22] =	dma.local [hbm:s5], s20  }
0xa4: {  	_ =	swait.ge [sflag:s22], s20  }
0xa5: {  	s4 =	ssub.s32 $0x0, s20;
	[sflag:s22] =	ssyncset.done $0x0  }
0xa6: {  	[sflag:s22] =	ssyncadd.s32 s4;
	_ =	sdelay $0x1  }
0xa7: {  	s23 =	simm.s32 $0x1B8B  }
0xa8: {  	_ =	swait.ge [sflag:s23], $0x1  }
0xa9: {  	[sflag:s23] =	ssyncset.done $0x0  }
0xaa: {  	s25 =	simm.s32 $0x1B8E;
	s24 =	sld [smem:$0x3FFE];
	[sflag:s23] =	ssyncadd.s32 $0xFFFFFFFF  }
0xab: {  	s26 =	simm.s32 $execute0_lowered;
	[smem:$0x3FD2] =	sst s25  }
0xac: {  	s5 =	sshll.u32 s26, $0x1;
	_ =	strace $0x80000046;
	[dreg:$0x1] =	wrdreg $0xFFFFFFFF  }
0xad: {  	s28 =	simm.s32 $_size_execute0_lowered;
	s3 =	sadd.s32 s3, s5;
	[dreg:$0x0] =	wrdreg $0x0  }
0xae: {  	s5 =	sshll.u32 s28, $0x1;
	[dreg:$0x2] =	wrdreg s3  }
0xaf: {  	[dreg:$0x3] =	wrdreg s5  }
0xb0: {  	[dreg:$0x4] =	wrdreg $0xC0  }
0xb1: {  	_ =	task [dreg:s7], $0x5FFFF  }
0xb2: {  	[dreg:$0x1] =	wrdreg $0xFFFFFFFF  }
0xb3: {  	[dreg:$0x0] =	wrdreg $0x60  }
0xb4: {  	[dreg:$0x2] =	wrdreg s24  }
0xb5: {  	[dreg:$0x3] =	wrdreg s16  }
0xb6: {  	[dreg:$0x4] =	wrdreg $0x9  }
0xb7: {  	_ =	task.clear_ibuf [dreg:s7], $0x5FFFF;
	_ =	strace $0x90000046  }
0xb8: {  	s29 =	simm.s32 $0x9;
	_ =	strace $0x8000004E  }
0xb9: {  	_ =	swait.ge [sflag:s29], $0x1  }
0xba: {  	[sflag:s29] =	ssyncadd.s32 $0xFFFFFFFF  }
0xbb: {  	_ =	strace $0x9000004E  }
0xbc: {  	_ =	sfence  }
0xbd: {  	s30 =	sld [smem:$0x0];
	_ =	sdelay $0x2  }
0xbe: {  	s31 =	sshll.u32 s1, $0xD;
	s1 =	sshrl.u32 s1, $0x2  }
0xbf: {  	s3 =	sand.u32 $0x4000, s31;
	s1 =	sadd.s32 s1, s30  }
0xc0: {  	s0 =	sor.u32 s3, s0;
	s1 =	sshll.u32 s1, $0x11  }
0xc1: {  	s0 =	sor.u32 s1, s0  }
0xc2: {  	s0 =	sadd.s32 $0x8F2B, s0  }
0xc3: {  	[sflag:s0] =	ssyncadd.remote.s32 $0x1  }
0xc4: {  	_ =	sfence.sel $0xFFFF  }
0xc5: {  	[dreg:$0x0] =	wrdreg $0xFFFFFFFF;
	(pc) =	sbr.abs _section_cstart, $3  }
0xc6: {  	[dreg:$0x1] =	wrdreg $0xFFFFFFFF  }
0xc7: {  	_ =	task.clear_ibuf [dreg:s7], $0x2FFFF;
	_ =	strace $0x9FFFFFFF  }
0xc8: {  	(tm) =	ssettm $0x7FFFFFFF  }
0xc9: {  	_ =	shalt  }
tec
execute0_lowered:
.L_overlay_start_1:
0x0: {  	(tag) =	ssettag $0x1  }
0x1: {  	s4 =	rddreg [dreg:$0x0]  }
0x2: {  	s5 =	rddreg [dreg:$0x1]  }
0x3: {  	s0 =	rddreg [dreg:$0x2];
	s2 =	simm.s32 $0x0;
	s3 =	srdreg.scid  }
0x4: {  	s1 =	stileid.u32;
	s10 =	simm.s32 $0x1;
	s11 =	simm.s32 $0x3  }
0x5: {  	s12 =	simm.s32 $0x80;
	s13 =	simm.s32 $0x7;
	s14 =	simm.s32 $0xC100  }
0x6: {  	s15 =	simm.s32 $0x5;
	s16 =	simm.s32 $0x0;
	s6 =	sand.u32 $0x1, s3  }
0x7: {  	[smem:$0x7FF] =	sst s2;
	s8 =	sshll.u32 s1, $0x7;
	s7 =	sshll.u32 s6, $0xB  }
0x8: {  	s3 =	sadd.s32 $0x10C00, s4;
	s6 =	ssub.s32 $0x2, s6;
	s7 =	sor.u32 s8, s7  }
0x9: {  	_ =	strace $0x80000047;
	s9 =	sshrl.u32 s6, $0x1;
	s8 =	sshll.u32 s7, $0x4  }
0xa: {  	s7 =	sshrl.u32 s7, $0x3;
	s9 =	ssub.s32 s6, s9;
	s8 =	sadd.s32 s8, s4  }
0xb: {  	s4 =	sadd.s32 s5, s7;
	s7 =	smax.u32 s9, $0x1;
	s9 =	simm.s32 $0x4100  }
0xc: {  	s5 =	sadd.s32 $0xC00, s8;
	s6 =	sadd.s32 $0x12C00, s8;
	s8 =	simm.s32 $0x4000  }
.LBB2_1:
0xd: {  	_ =	strace $0x80000048  }
0xe: {  	[tilespmem:s8], [sflag:$0x1] =	stream.linear.gather [hbm4b:s4+s2], $0x80, $0x200038;
	[tilespmem:$0x14100] =	vst v63  }
0xf: {  	_ = 	snop  }
0x10: {  	[tilespmem:s9], [sflag:$0x3] =	stream.linear.gather [hbm4b:s5+s2], $0x4000, $0x200038;
	[tilespmem:$0x14100] =	vst v63  }
0x11: {  	_ =	strace $0x90000048  }
0x12: {  	_ =	strace $0x80000049  }
0x13: {  	_ =	swait.ge [sflag:s10], $0x80  }
0x14: {  	[sflag:s10] =	ssyncset.done $0x0  }
0x15: {  	[sflag:s10] =	ssyncadd.s32 $0xFFFFFF80  }
0x16: {  	_ =	strace $0x90000049  }
0x17: {  	_ =	strace $0x8000004A  }
0x18: {  	_ =	swait.ge [sflag:s11], $0x4000  }
0x19: {  	[sflag:s11] =	ssyncset.done $0x0  }
0x1a: {  	[sflag:s11] =	ssyncadd.s32 $0xFFFFC000  }
0x1b: {  	_ =	strace $0x9000004A  }
0x1c: {  	_ =	strace $0x8000004B  }
0x1d: {  	[tilespmem:s2], [sflag:$0x7] =	stream.indirect.gather [hbm4b:s3+s12], $0x80, s8, s12, $0x2000b8;
	[tilespmem:$0x14100] =	vst v63  }
0x1e: {  	_ =	swait.ge [sflag:s13], $0x4000  }
0x1f: {  	[sflag:s13] =	ssyncset.done $0x0  }
0x20: {  	s17 =	simm.s32 $0x0;
	[sflag:s13] =	ssyncadd.s32 $0xFFFFC000  }
0x21: {  	v0 =	vld [tilespmem:s17+$0x0]  }
0x22: {  	s18 =	simm.s32 $0x200;
	v1 =	vld [tilespmem:s17+$0x4100]  }
.LBB2_2:
0x23: {  	_ = 	snop  }
0x24: {  	p0 =	sne.s32 s18, $0xFE00  }
.Ltmp0:
0x25: {  	_ = 	snop;
	(pc) =	sbr.rel @p0 .LBB2_2-.Ltmp0, $4  }
0x26: {  	_ = 	snop  }
0x27: {  	s19 =	sshra.s32 s18, $0x2;
	v2 =	vadd.f32 v1, v0  }
0x28: {  	v0 =	vld [tilespmem:s19+$0x0]  }
0x29: {  	s18 =	sadd.s32 $0x200, s18;
	v1 =	vld [tilespmem:s19+$0x4100];
	[tilespmem:s17+$0xC100] =	vst v2;
	s17 =	smov.u32 s19  }
0x2a: {  	_ =	sdelay $0x3  }
0x2b: {  	v0 =	vadd.f32 v1, v0;
	_ =	sdelay $0x1  }
0x2c: {  	[tilespmem:s17+$0xC100] =	vst v0  }
0x2d: {  	_ =	strace $0x9000004B  }
0x2e: {  	s16 =	sadd.s32 $0x1, s16;
	_ =	strace $0x8000004C  }
0x2f: {  	[hbm4b:s6+s2] =	stream.linear.scatter [tilespmem:s14], [sflag:$0x5], $0x4000, $0x200038;
	[tilespmem:$0x14100] =	vst v63  }
0x30: {  	p0 =	sne.s32 s16, s7;
	_ =	strace $0x9000004C  }
.Ltmp1:
0x31: {  	_ =	strace $0x8000004D;
	(pc) =	sbr.rel @p0 .LBB2_1-.Ltmp1, $4  }
0x32: {  	_ =	swait.ge [sflag:s15], $0x4000  }
0x33: {  	[sflag:s15] =	ssyncset.done $0x0  }
0x34: {  	[sflag:s15] =	ssyncadd.s32 $0xFFFFC000  }
0x35: {  	_ =	strace $0x9000004D  }
0x36: {  	_ =	sfence.sel $0x180000  }
0x37: {  	[bflag:$0x0] =	sbarrier.arrive $0xFFFF  }
0x38: {  	p0 =	sne.s32 s1, $0x0;
	_ =	strace $0x90000047  }
0x39: {  	s0 =	sadd.s32 @!p0 $0x100000, s0;
	[bflag:$0x2] =	sbarrier.arrive $0xFFFF  }
0x3a: {  	[sflag:s0] =	ssyncadd.tile.s32 @!p0 $0x1;
	_ =	shalt  }
.Lfunc_end2:
_tile_overlayer_lowered:
.L_overlay_start_2:
0x3b: {  	(tag) =	ssettag $0x2  }
0x3c: {  	s0 =	rddreg [dreg:$0x0];
	s2 =	stileid.u32  }
0x3d: {  	s1 =	rddreg [dreg:$0x1];
	p0 =	sne.s32 s2, $0x0  }
0x3e: {  	s3 =	rddreg [dreg:$0x2];
	[bflag:$0x3] =	sbarrier.arrive $0xFFFF;
	s2 =	simm.s32 @!p0 $0x1C01  }
0x3f: {  	[timem:s3], [sflag:s2] =	dma.local @!p0 [hbm:s0], s1  }
0x40: {  	s0 =	simm.s32 @!p0 $0x1  }
0x41: {  	_ =	swait.ge @!p0 [sflag:s0], s1  }
0x42: {  	s1 =	ssub.s32 @!p0 $0x0, s1;
	[sflag:s0] =	ssyncset.done @!p0 $0x0  }
0x43: {  	[sflag:s0] =	ssyncadd.s32 @!p0 s1  }
0x44: {  	[bflag:$0x3] =	sbarrier.arrive $0xFFFF  }
0x45: {  	_ =	shalt  }

</sc_bundles>
